<compile_context>
chip_gen: v7x
topology: tpu7x:2x2x1
jax: 0.10.2.dev20260603
libtpu: 0.0.44.dev20260713+nightly
codegen_flags: <defaults>
</compile_context>

<pallas_src>
import jax
import jax.numpy as jnp
from jax import lax
from jax.experimental import pallas as pl
from jax.experimental.pallas import tpu as pltpu
from jax.experimental.pallas import tpu_sc as plsc

N = 10000
E = 320000
H = 128
G = 64

NC = 2
NS = 16
NW = NC * NS

C = 128
K = 80
NCH = NW * K
EPAD = NCH * C
DUMMY = N
K0 = 104
K1 = 56
NP = 10112
RPT = NP // NS

_mesh = plsc.VectorSubcoreMesh(core_axis_name="c", subcore_axis_name="s",
                               num_cores=NC, num_subcores=NS)


def _deg_body(dstp, ones_hbm, zeros128, outdeg, dst_v, ones_v, acc):
    c = lax.axis_index("c")
    s = lax.axis_index("s")
    w = c * NS + s
    pltpu.sync_copy(dstp.at[pl.ds(w * K, K)], dst_v)
    pltpu.sync_copy(ones_hbm, ones_v)
    pltpu.sync_copy(zeros128, acc.at[pl.ds(s * RPT, RPT)])
    plsc.subcore_barrier()

    def body(j, carry):
        pltpu.sync_copy(ones_v, acc.at[dst_v.at[j]], add=True)
        return carry

    lax.fori_loop(0, K, body, 0)
    plsc.subcore_barrier()
    pltpu.sync_copy(acc.at[pl.ds(s * RPT, RPT)],
                    outdeg.at[c, pl.ds(s * RPT, RPT)])


_deg_kernel = pl.kernel(
    _deg_body,
    out_type=jax.ShapeDtypeStruct((NC, NP, H), jnp.float32),
    mesh=_mesh,
    scratch_types=[
        pltpu.VMEM((K, C), jnp.int32),
        pltpu.VMEM((C, H), jnp.float32),
        pltpu.VMEM_SHARED((NP, H), jnp.float32),
    ],
)


def _prop_body(y, srcp, dstp, zeros128, out, src_v, dst_v, rows_v, sem, acc):
    c = lax.axis_index("c")
    s = lax.axis_index("s")
    base = jnp.where(c == 0, NS * K1 + s * K0, s * K1)
    pltpu.sync_copy(zeros128, acc.at[pl.ds(s * RPT, RPT)])
    plsc.subcore_barrier()

    def body(j, carry):
        pltpu.async_copy(y.at[src_v.at[j]], rows_v, sem).wait()
        pltpu.sync_copy(rows_v, acc.at[dst_v.at[j]], add=True)
        return carry

    for off, wsz in ((0, K1), (K1, K0 - K1)):
        pltpu.sync_copy(srcp.at[pl.ds(base + off, wsz)],
                        src_v.at[pl.ds(0, wsz)])
        pltpu.sync_copy(dstp.at[pl.ds(base + off, wsz)],
                        dst_v.at[pl.ds(0, wsz)])
        trip = wsz if off == 0 else jnp.where(c == 0, wsz, 0)
        lax.fori_loop(0, trip, body, 0)
    plsc.subcore_barrier()
    pltpu.sync_copy(acc.at[pl.ds(s * RPT, RPT)],
                    out.at[c, pl.ds(s * RPT, RPT)])


_prop_kernel = pl.kernel(
    _prop_body,
    out_type=jax.ShapeDtypeStruct((NC, NP, H), jnp.float32),
    mesh=_mesh,
    scratch_types=[
        pltpu.VMEM((K1, C), jnp.int32),
        pltpu.VMEM((K1, C), jnp.int32),
        pltpu.VMEM((C, H), jnp.float32),
        pltpu.SemaphoreType.DMA,
        pltpu.VMEM_SHARED((NP, H), jnp.float32),
    ],
)


R = 1000
NB = N // R


def _dinv_from(degp_ref):
    deg = degp_ref[0, :, 0] + degp_ref[1, :, 0] + 1.0
    return lax.rsqrt(deg)


def _b1_body(x_ref, w_ref, degp_ref, y_ref):
    dinv = _dinv_from(degp_ref)
    xw = jnp.dot(x_ref[...], w_ref[...], preferred_element_type=jnp.float32)
    y_ref[...] = xw * dinv[:, None]


def _b2_body(accp_ref, y_ref, degp_ref, b_ref, wn_ref, ynext_ref):
    dinv = _dinv_from(degp_ref)
    tot = accp_ref[0] + accp_ref[1] + y_ref[...]
    h = jnp.maximum(tot * dinv[:, None] + b_ref[...], 0.0)
    hw = jnp.dot(h, wn_ref[...], preferred_element_type=jnp.float32)
    ynext_ref[...] = hw * dinv[:, None]


def _f_body(accp_ref, y_ref, degp_ref, b_ref, batch_ref, wl1_ref, bl1_ref,
            wl2_ref, bl2_ref, out_ref, pooled_s, cnt_s):
    i = pl.program_id(0)
    dinv = _dinv_from(degp_ref)
    tot = accp_ref[0] + accp_ref[1] + y_ref[...]
    h = jnp.maximum(tot * dinv[:, None] + b_ref[...], 0.0)
    b = batch_ref[0, 0, :]
    oh = (b[:, None] == lax.broadcasted_iota(jnp.int32, (R, G), 1)
          ).astype(jnp.float32)
    p = lax.dot_general(oh, h, (((0,), (0,)), ((), ())),
                        preferred_element_type=jnp.float32)
    cnt = jnp.sum(oh, axis=0)[None, :]

    @pl.when(i == 0)
    def _():
        pooled_s[...] = p
        cnt_s[...] = cnt

    @pl.when(i > 0)
    def _():
        pooled_s[...] += p
        cnt_s[...] += cnt

    @pl.when(i == pl.num_programs(0) - 1)
    def _():
        pooled = pooled_s[...] / jnp.maximum(cnt_s[0, :], 1.0)[:, None]
        hid = jnp.maximum(
            jnp.dot(pooled, wl1_ref[...], preferred_element_type=jnp.float32)
            + bl1_ref[...], 0.0)
        out_ref[...] = (
            jnp.dot(hid, wl2_ref[...], preferred_element_type=jnp.float32)
            + bl2_ref[...])


def _rows_spec():
    return pl.BlockSpec((R, H), lambda i: (i, 0))


def _accp_spec():
    return pl.BlockSpec((2, R, H), lambda i: (0, i, 0))


def _degp_spec():
    return pl.BlockSpec((2, R, H), lambda i: (0, i, 0))


def _full(shape):
    return pl.BlockSpec(shape, lambda i: tuple(0 for _ in shape))


_b1_call = pl.pallas_call(
    _b1_body,
    grid=(NB,),
    in_specs=[_rows_spec(), _full((H, H)), _degp_spec()],
    out_specs=_rows_spec(),
    out_shape=jax.ShapeDtypeStruct((N, H), jnp.float32),
)

_b2_call = pl.pallas_call(
    _b2_body,
    grid=(NB,),
    in_specs=[_accp_spec(), _rows_spec(), _degp_spec(), _full((1, H)),
              _full((H, H))],
    out_specs=_rows_spec(),
    out_shape=jax.ShapeDtypeStruct((N, H), jnp.float32),
)

_f_call = pl.pallas_call(
    _f_body,
    grid=(NB,),
    in_specs=[_accp_spec(), _rows_spec(), _degp_spec(), _full((1, H)),
              pl.BlockSpec((1, 1, R), lambda i: (i, 0, 0)),
              _full((H, H)), _full((1, H)), _full((H, 10)), _full((1, 10))],
    out_specs=pl.BlockSpec((G, 10), lambda i: (0, 0)),
    out_shape=jax.ShapeDtypeStruct((G, 10), jnp.float32),
    scratch_shapes=[pltpu.VMEM((G, H), jnp.float32),
                    pltpu.VMEM((1, G), jnp.float32)],
)


@jax.jit
def kernel(x, edge_index, batch, W1, b1, W2, b2, W3, b3, Wl1, bl1, Wl2, bl2):
    src = edge_index[0]
    dst = edge_index[1]
    pad = EPAD - E
    srcp = jnp.concatenate(
        [src, jnp.zeros((pad,), jnp.int32)]).reshape(NCH, C)
    dstp = jnp.concatenate(
        [dst, jnp.full((pad,), DUMMY, jnp.int32)]).reshape(NCH, C)

    ones128 = jnp.ones((C, H), jnp.float32)
    zeros128 = jnp.zeros((RPT, H), jnp.float32)

    degp = _deg_kernel(dstp, ones128, zeros128)

    y = _b1_call(x, W1, degp)
    for b_l, W_next in ((b1, W2), (b2, W3)):
        accp = _prop_kernel(y, srcp, dstp, zeros128)
        y = _b2_call(accp, y, degp, b_l.reshape(1, H), W_next)
    accp = _prop_kernel(y, srcp, dstp, zeros128)

    logits = _f_call(accp, y, degp, b3.reshape(1, H),
                     batch.reshape(NB, 1, R), Wl1, bl1.reshape(1, H),
                     Wl2, bl2.reshape(1, 10))
    return (logits, jnp.zeros((), dtype=logits.dtype))

# --- scband reference (transcript-rebuilt; emitter-appended) ---
"""Pipeline reference for scband-gcngraph-classifier-77704548319503 (READ-ONLY COPY).

The authoritative reference and input builder live on the scoring server;
editing this copy changes nothing except your own understanding.
"""

import jax, jax.numpy as jnp
import numpy as np

N = 10000
E = 320000
D = 128
H = 128
OUT = 10
G = 64


def setup_inputs(seed: int = 0) -> dict:
    key = jax.random.key(seed)
    ks = jax.random.split(key, 16)
    x = jax.random.normal(ks[0], (N, D), dtype=jnp.float32)
    edge_index = jax.random.randint(ks[1], (2, E), 0, N, dtype=jnp.int32)
    batch = jnp.sort(jax.random.randint(ks[2], (N,), 0, G, dtype=jnp.int32))
    W1 = jax.random.normal(ks[3], (D, H), dtype=jnp.float32) * 0.05
    b1 = jnp.zeros((H,), dtype=jnp.float32)
    W2 = jax.random.normal(ks[4], (H, H), dtype=jnp.float32) * 0.05
    b2 = jnp.zeros((H,), dtype=jnp.float32)
    W3 = jax.random.normal(ks[5], (H, H), dtype=jnp.float32) * 0.05
    b3 = jnp.zeros((H,), dtype=jnp.float32)
    Wl1 = jax.random.normal(ks[6], (H, H), dtype=jnp.float32) * 0.05
    bl1 = jnp.zeros((H,), dtype=jnp.float32)
    Wl2 = jax.random.normal(ks[7], (H, OUT), dtype=jnp.float32) * 0.05
    bl2 = jnp.zeros((OUT,), dtype=jnp.float32)
    return {"x": x, "edge_index": edge_index, "batch": batch,
            "W1": W1, "b1": b1, "W2": W2, "b2": b2, "W3": W3, "b3": b3,
            "Wl1": Wl1, "bl1": bl1, "Wl2": Wl2, "bl2": bl2}


def _gcn_conv(x, edge_index, W, b):
    src = edge_index[0]
    dst = edge_index[1]
    loop = jnp.arange(N, dtype=src.dtype)
    s = jnp.concatenate([src, loop])
    d = jnp.concatenate([dst, loop])
    ones = jnp.ones((s.shape[0],), dtype=x.dtype)
    deg = jax.ops.segment_sum(ones, d, num_segments=N)
    dinv = jnp.where(deg > 0, 1.0 / jnp.sqrt(deg), 0.0)
    norm = dinv[s] * dinv[d]
    xw = x @ W
    msg = xw[s] * norm[:, None]
    out = jax.ops.segment_sum(msg, d, num_segments=N) + b
    return out


def reference(x, edge_index, batch, W1, b1, W2, b2, W3, b3, Wl1, bl1, Wl2, bl2):
    h = x
    for W, b in ((W1, b1), (W2, b2), (W3, b3)):
        h = jax.nn.relu(_gcn_conv(h, edge_index, W, b))
        # dropout p=0.0 -> identity
    counts = jax.ops.segment_sum(jnp.ones((N,), dtype=h.dtype), batch, num_segments=G)
    pooled = jax.ops.segment_sum(h, batch, num_segments=G) / jnp.maximum(counts, 1.0)[:, None]
    hidden = jax.nn.relu(pooled @ Wl1 + bl1)
    logits = hidden @ Wl2 + bl2
    return (logits, jnp.zeros((), dtype=logits.dtype))

if __name__ == "__main__":
    import jax
    _d = setup_inputs()
    print(jax.jit(kernel)(*tuple(_d.values())))

</pallas_src>

<mosaic_0001>
#map = affine_map<(d0, d1) -> (0, 0)>
#map1 = affine_map<(d0, d1) -> (0, 0, 0)>
module attributes {stable_mosaic.version = 14 : i64} {
  func.func @_deg_body(%arg0: i32, %arg1: i32, %arg2: memref<2560x128xi32, #tpu.memory_space<hbm>>, %arg3: memref<128x128xf32, #tpu.memory_space<hbm>>, %arg4: memref<632x128xf32, #tpu.memory_space<hbm>>, %arg5: memref<2x10112x128xf32, #tpu.memory_space<hbm>>, %arg6: memref<80x128xi32, #tpu.memory_space<vmem>>, %arg7: memref<128x128xf32, #tpu.memory_space<vmem>>, %arg8: memref<10112x128xf32, #tpu.memory_space<vmem_shared>>) attributes {dimension_semantics = [#tpu.dimension_semantics<core_parallel>, #tpu.dimension_semantics<subcore_parallel>], iteration_bounds = array<i64: 2, 16>, scalar_prefetch = 0 : i64, scratch_operands = 3 : i64, tpu.core_type = #tpu.core_type<sc_vector_subcore>, window_params = [{transform_indices = #map}, {transform_indices = #map}, {transform_indices = #map}, {transform_indices = #map1}]} {
    %mul3A = arith.constant 16 : i32
    %mul3A_0 = arith.muli %arg0, %mul3A : i32
    %add3A = arith.addi %mul3A_0, %arg1 : i32
    %mul3A_1 = arith.constant 80 : i32
    %mul3A_2 = arith.muli %add3A, %mul3A_1 : i32
    "tpu.region"() ({
      %run_scoped3A = tpu.sem_alloc : memref<!tpu.dma_semaphore, #tpu.memory_space<semaphore_mem>>
      %dma_start3A = arith.constant 0 : i32
      %dma_start3A_15 = tpu.memref_slice %arg2[%mul3A_2, %dma_start3A] : memref<2560x128xi32, #tpu.memory_space<hbm>> -> memref<80x128xi32, #tpu.memory_space<hbm>>
      %dma_start3A_16 = arith.constant 0 : i32
      %dma_start3A_17 = tpu.memref_slice %arg2[%mul3A_2, %dma_start3A_16] : memref<2560x128xi32, #tpu.memory_space<hbm>> -> memref<80x128xi32, #tpu.memory_space<hbm>>
      tpu.enqueue_dma source(%dma_start3A_17 : memref<80x128xi32, #tpu.memory_space<hbm>>) target(%arg6 : memref<80x128xi32, #tpu.memory_space<vmem>>) target_semaphore(%run_scoped3A : memref<!tpu.dma_semaphore, #tpu.memory_space<semaphore_mem>>)
      %dma_wait3A = arith.constant 0 : i32
      %dma_wait3A_18 = tpu.memref_slice %arg2[%mul3A_2, %dma_wait3A] : memref<2560x128xi32, #tpu.memory_space<hbm>> -> memref<80x128xi32, #tpu.memory_space<hbm>>
      %dma_wait3A_19 = arith.constant 0 : i32
      %dma_wait3A_20 = tpu.memref_slice %arg2[%mul3A_2, %dma_wait3A_19] : memref<2560x128xi32, #tpu.memory_space<hbm>> -> memref<80x128xi32, #tpu.memory_space<hbm>>
      tpu.wait_dma2 semaphore(%run_scoped3A : memref<!tpu.dma_semaphore, #tpu.memory_space<semaphore_mem>>) src(%dma_wait3A_20 : memref<80x128xi32, #tpu.memory_space<hbm>>) dst(%arg6 : memref<80x128xi32, #tpu.memory_space<vmem>>)
      tpu.yield
    }) : () -> ()
    "tpu.region"() ({
      %run_scoped3A = tpu.sem_alloc : memref<!tpu.dma_semaphore, #tpu.memory_space<semaphore_mem>>
      tpu.enqueue_dma source(%arg3 : memref<128x128xf32, #tpu.memory_space<hbm>>) target(%arg7 : memref<128x128xf32, #tpu.memory_space<vmem>>) target_semaphore(%run_scoped3A : memref<!tpu.dma_semaphore, #tpu.memory_space<semaphore_mem>>)
      tpu.wait_dma2 semaphore(%run_scoped3A : memref<!tpu.dma_semaphore, #tpu.memory_space<semaphore_mem>>) src(%arg3 : memref<128x128xf32, #tpu.memory_space<hbm>>) dst(%arg7 : memref<128x128xf32, #tpu.memory_space<vmem>>)
      tpu.yield
    }) : () -> ()
    %mul3A_3 = arith.constant 632 : i32
    %mul3A_4 = arith.muli %arg1, %mul3A_3 : i32
    "tpu.region"() ({
      %run_scoped3A = tpu.sem_alloc : memref<!tpu.dma_semaphore, #tpu.memory_space<semaphore_mem>>
      %dma_start3A = arith.constant 0 : i32
      %dma_start3A_15 = tpu.memref_slice %arg8[%mul3A_4, %dma_start3A] : memref<10112x128xf32, #tpu.memory_space<vmem_shared>> -> memref<632x128xf32, #tpu.memory_space<vmem_shared>>
      tpu.enqueue_dma source(%arg4 : memref<632x128xf32, #tpu.memory_space<hbm>>) target(%dma_start3A_15 : memref<632x128xf32, #tpu.memory_space<vmem_shared>>) target_semaphore(%run_scoped3A : memref<!tpu.dma_semaphore, #tpu.memory_space<semaphore_mem>>)
      %dma_wait3A = arith.constant 0 : i32
      %dma_wait3A_16 = tpu.memref_slice %arg8[%mul3A_4, %dma_wait3A] : memref<10112x128xf32, #tpu.memory_space<vmem_shared>> -> memref<632x128xf32, #tpu.memory_space<vmem_shared>>
      tpu.wait_dma2 semaphore(%run_scoped3A : memref<!tpu.dma_semaphore, #tpu.memory_space<semaphore_mem>>) src(%arg4 : memref<632x128xf32, #tpu.memory_space<hbm>>) dst(%dma_wait3A_16 : memref<632x128xf32, #tpu.memory_space<vmem_shared>>)
      tpu.yield
    }) : () -> ()
    %barrier3A = arith.constant 0 : index
    tpu.barrier barrier_id(%barrier3A)
    %scan3A = arith.constant 0 : i32
    %scan3A_5 = arith.constant 0 : i32
    %scan3A_6 = arith.constant 80 : i32
    %scan3A_7 = arith.addi %scan3A_5, %scan3A_6 : i32
    %scan3A_8 = arith.constant 1 : i32
    scf.for %scan3A_15 = %scan3A_5 to %scan3A_7 step %scan3A_8  : i32 {
      "tpu.region"() ({
        %run_scoped3A = tpu.sem_alloc : memref<!tpu.dma_semaphore, #tpu.memory_space<semaphore_mem>>
        %dma_start3A = arith.constant 0 : i32
        %dma_start3A_16 = tpu.memref_slice %arg6[%scan3A_15, %dma_start3A] : memref<80x128xi32, #tpu.memory_space<vmem>> -> memref<1x128xi32, #tpu.memory_space<vmem>>
        %dma_start3A_17 = tpu.memref_squeeze %dma_start3A_16 : memref<1x128xi32, #tpu.memory_space<vmem>> -> memref<128xi32, #tpu.memory_space<vmem>>
        %dma_start3A_18 = arith.constant 0 : i32
        %dma_start3A_19 = arith.constant 0 : i32
        %dma_start3A_20 = tpu.memref_slice %arg8[%dma_start3A_18, %dma_start3A_19] : memref<10112x128xf32, #tpu.memory_space<vmem_shared>> -> memref<10112x128xf32, #tpu.memory_space<vmem_shared>>
        tpu.enqueue_indirect_dma source(%arg7 : memref<128x128xf32, #tpu.memory_space<vmem>>) target(%dma_start3A_20 : memref<10112x128xf32, #tpu.memory_space<vmem_shared>>) offsets(%dma_start3A_17 : memref<128xi32, #tpu.memory_space<vmem>>) semaphore(%run_scoped3A : memref<!tpu.dma_semaphore, #tpu.memory_space<semaphore_mem>>) {add = true}
        %dma_wait3A = arith.constant 0 : i32
        %dma_wait3A_21 = tpu.memref_slice %arg6[%scan3A_15, %dma_wait3A] : memref<80x128xi32, #tpu.memory_space<vmem>> -> memref<1x128xi32, #tpu.memory_space<vmem>>
        %dma_wait3A_22 = tpu.memref_squeeze %dma_wait3A_21 : memref<1x128xi32, #tpu.memory_space<vmem>> -> memref<128xi32, #tpu.memory_space<vmem>>
        %dma_wait3A_23 = arith.constant 0 : i32
        %dma_wait3A_24 = arith.constant 0 : i32
        %dma_wait3A_25 = tpu.memref_slice %arg8[%dma_wait3A_23, %dma_wait3A_24] : memref<10112x128xf32, #tpu.memory_space<vmem_shared>> -> memref<10112x128xf32, #tpu.memory_space<vmem_shared>>
        tpu.wait_indirect_dma semaphore(%run_scoped3A : memref<!tpu.dma_semaphore, #tpu.memory_space<semaphore_mem>>) src(%arg7 : memref<128x128xf32, #tpu.memory_space<vmem>>) dst(%dma_wait3A_25 : memref<10112x128xf32, #tpu.memory_space<vmem_shared>>)
        tpu.yield
      }) : () -> ()
    }
    %scan3A_9 = arith.constant 80 : i32
    %barrier3A_10 = arith.constant 0 : index
    tpu.barrier barrier_id(%barrier3A_10)
    %mul3A_11 = arith.constant 632 : i32
    %mul3A_12 = arith.muli %arg1, %mul3A_11 : i32
    %mul3A_13 = arith.constant 632 : i32
    %mul3A_14 = arith.muli %arg1, %mul3A_13 : i32
    "tpu.region"() ({
      %run_scoped3A = tpu.sem_alloc : memref<!tpu.dma_semaphore, #tpu.memory_space<semaphore_mem>>
      %dma_start3A = arith.constant 0 : i32
      %dma_start3A_15 = tpu.memref_slice %arg5[%arg0, %mul3A_14, %dma_start3A] : memref<2x10112x128xf32, #tpu.memory_space<hbm>> -> memref<1x632x128xf32, #tpu.memory_space<hbm>>
      %dma_start3A_16 = tpu.memref_squeeze %dma_start3A_15 : memref<1x632x128xf32, #tpu.memory_space<hbm>> -> memref<632x128xf32, #tpu.memory_space<hbm>>
      %dma_start3A_17 = arith.constant 0 : i32
      %dma_start3A_18 = tpu.memref_slice %arg8[%mul3A_12, %dma_start3A_17] : memref<10112x128xf32, #tpu.memory_space<vmem_shared>> -> memref<632x128xf32, #tpu.memory_space<vmem_shared>>
      tpu.enqueue_dma source(%dma_start3A_18 : memref<632x128xf32, #tpu.memory_space<vmem_shared>>) target(%dma_start3A_16 : memref<632x128xf32, #tpu.memory_space<hbm>>) target_semaphore(%run_scoped3A : memref<!tpu.dma_semaphore, #tpu.memory_space<semaphore_mem>>)
      %dma_wait3A = arith.constant 0 : i32
      %dma_wait3A_19 = tpu.memref_slice %arg5[%arg0, %mul3A_14, %dma_wait3A] : memref<2x10112x128xf32, #tpu.memory_space<hbm>> -> memref<1x632x128xf32, #tpu.memory_space<hbm>>
      %dma_wait3A_20 = tpu.memref_squeeze %dma_wait3A_19 : memref<1x632x128xf32, #tpu.memory_space<hbm>> -> memref<632x128xf32, #tpu.memory_space<hbm>>
      %dma_wait3A_21 = arith.constant 0 : i32
      %dma_wait3A_22 = tpu.memref_slice %arg8[%mul3A_12, %dma_wait3A_21] : memref<10112x128xf32, #tpu.memory_space<vmem_shared>> -> memref<632x128xf32, #tpu.memory_space<vmem_shared>>
      tpu.wait_dma2 semaphore(%run_scoped3A : memref<!tpu.dma_semaphore, #tpu.memory_space<semaphore_mem>>) src(%dma_wait3A_22 : memref<632x128xf32, #tpu.memory_space<vmem_shared>>) dst(%dma_wait3A_20 : memref<632x128xf32, #tpu.memory_space<hbm>>)
      tpu.yield
    }) : () -> ()
    return
  }
}

#map = affine_map<(d0, d1) -> (0, 0)>
#map1 = affine_map<(d0, d1) -> (0, 0, 0)>
module attributes {stable_mosaic.version = 14 : i64} {
  func.func @_prop_body(%arg0: i32, %arg1: i32, %arg2: memref<10000x128xf32, #tpu.memory_space<hbm>>, %arg3: memref<2560x128xi32, #tpu.memory_space<hbm>>, %arg4: memref<2560x128xi32, #tpu.memory_space<hbm>>, %arg5: memref<632x128xf32, #tpu.memory_space<hbm>>, %arg6: memref<2x10112x128xf32, #tpu.memory_space<hbm>>, %arg7: memref<56x128xi32, #tpu.memory_space<vmem>>, %arg8: memref<56x128xi32, #tpu.memory_space<vmem>>, %arg9: memref<128x128xf32, #tpu.memory_space<vmem>>, %arg10: memref<!tpu.dma_semaphore, #tpu.memory_space<semaphore_mem>>, %arg11: memref<10112x128xf32, #tpu.memory_space<vmem_shared>>) attributes {dimension_semantics = [#tpu.dimension_semantics<core_parallel>, #tpu.dimension_semantics<subcore_parallel>], iteration_bounds = array<i64: 2, 16>, scalar_prefetch = 0 : i64, scratch_operands = 5 : i64, tpu.core_type = #tpu.core_type<sc_vector_subcore>, window_params = [{transform_indices = #map}, {transform_indices = #map}, {transform_indices = #map}, {transform_indices = #map}, {transform_indices = #map1}]} {
    %eq3A = arith.constant 0 : i32
    %eq3A_0 = arith.cmpi eq, %arg0, %eq3A : i32
    %mul3A = arith.constant 104 : i32
    %mul3A_1 = arith.muli %arg1, %mul3A : i32
    %add3A = arith.constant 896 : i32
    %add3A_2 = arith.addi %add3A, %mul3A_1 : i32
    %mul3A_3 = arith.constant 56 : i32
    %mul3A_4 = arith.muli %arg1, %mul3A_3 : i32
    %select_n3A = arith.select %eq3A_0, %add3A_2, %mul3A_4 : i32
    %mul3A_5 = arith.constant 632 : i32
    %mul3A_6 = arith.muli %arg1, %mul3A_5 : i32
    "tpu.region"() ({
      %run_scoped3A = tpu.sem_alloc : memref<!tpu.dma_semaphore, #tpu.memory_space<semaphore_mem>>
      %dma_start3A = arith.constant 0 : i32
      %dma_start3A_38 = tpu.memref_slice %arg11[%mul3A_6, %dma_start3A] : memref<10112x128xf32, #tpu.memory_space<vmem_shared>> -> memref<632x128xf32, #tpu.memory_space<vmem_shared>>
      tpu.enqueue_dma source(%arg5 : memref<632x128xf32, #tpu.memory_space<hbm>>) target(%dma_start3A_38 : memref<632x128xf32, #tpu.memory_space<vmem_shared>>) target_semaphore(%run_scoped3A : memref<!tpu.dma_semaphore, #tpu.memory_space<semaphore_mem>>)
      %dma_wait3A = arith.constant 0 : i32
      %dma_wait3A_39 = tpu.memref_slice %arg11[%mul3A_6, %dma_wait3A] : memref<10112x128xf32, #tpu.memory_space<vmem_shared>> -> memref<632x128xf32, #tpu.memory_space<vmem_shared>>
      tpu.wait_dma2 semaphore(%run_scoped3A : memref<!tpu.dma_semaphore, #tpu.memory_space<semaphore_mem>>) src(%arg5 : memref<632x128xf32, #tpu.memory_space<hbm>>) dst(%dma_wait3A_39 : memref<632x128xf32, #tpu.memory_space<vmem_shared>>)
      tpu.yield
    }) : () -> ()
    %barrier3A = arith.constant 0 : index
    tpu.barrier barrier_id(%barrier3A)
    %add3A_7 = arith.constant 0 : i32
    %add3A_8 = arith.addi %select_n3A, %add3A_7 : i32
    "tpu.region"() ({
      %run_scoped3A = tpu.sem_alloc : memref<!tpu.dma_semaphore, #tpu.memory_space<semaphore_mem>>
      %dma_start3A = arith.constant 0 : i32
      %dma_start3A_38 = arith.constant 0 : i32
      %dma_start3A_39 = tpu.memref_slice %arg7[%dma_start3A, %dma_start3A_38] : memref<56x128xi32, #tpu.memory_space<vmem>> -> memref<56x128xi32, #tpu.memory_space<vmem>>
      %dma_start3A_40 = arith.constant 0 : i32
      %dma_start3A_41 = tpu.memref_slice %arg3[%add3A_8, %dma_start3A_40] : memref<2560x128xi32, #tpu.memory_space<hbm>> -> memref<56x128xi32, #tpu.memory_space<hbm>>
      %dma_start3A_42 = arith.constant 0 : i32
      %dma_start3A_43 = arith.constant 0 : i32
      %dma_start3A_44 = tpu.memref_slice %arg7[%dma_start3A_42, %dma_start3A_43] : memref<56x128xi32, #tpu.memory_space<vmem>> -> memref<56x128xi32, #tpu.memory_space<vmem>>
      %dma_start3A_45 = arith.constant 0 : i32
      %dma_start3A_46 = tpu.memref_slice %arg3[%add3A_8, %dma_start3A_45] : memref<2560x128xi32, #tpu.memory_space<hbm>> -> memref<56x128xi32, #tpu.memory_space<hbm>>
      tpu.enqueue_dma source(%dma_start3A_46 : memref<56x128xi32, #tpu.memory_space<hbm>>) target(%dma_start3A_44 : memref<56x128xi32, #tpu.memory_space<vmem>>) target_semaphore(%run_scoped3A : memref<!tpu.dma_semaphore, #tpu.memory_space<semaphore_mem>>)
      %dma_wait3A = arith.constant 0 : i32
      %dma_wait3A_47 = arith.constant 0 : i32
      %dma_wait3A_48 = tpu.memref_slice %arg7[%dma_wait3A, %dma_wait3A_47] : memref<56x128xi32, #tpu.memory_space<vmem>> -> memref<56x128xi32, #tpu.memory_space<vmem>>
      %dma_wait3A_49 = arith.constant 0 : i32
      %dma_wait3A_50 = tpu.memref_slice %arg3[%add3A_8, %dma_wait3A_49] : memref<2560x128xi32, #tpu.memory_space<hbm>> -> memref<56x128xi32, #tpu.memory_space<hbm>>
      %dma_wait3A_51 = arith.constant 0 : i32
      %dma_wait3A_52 = arith.constant 0 : i32
      %dma_wait3A_53 = tpu.memref_slice %arg7[%dma_wait3A_51, %dma_wait3A_52] : memref<56x128xi32, #tpu.memory_space<vmem>> -> memref<56x128xi32, #tpu.memory_space<vmem>>
      %dma_wait3A_54 = arith.constant 0 : i32
      %dma_wait3A_55 = tpu.memref_slice %arg3[%add3A_8, %dma_wait3A_54] : memref<2560x128xi32, #tpu.memory_space<hbm>> -> memref<56x128xi32, #tpu.memory_space<hbm>>
      tpu.wait_dma2 semaphore(%run_scoped3A : memref<!tpu.dma_semaphore, #tpu.memory_space<semaphore_mem>>) src(%dma_wait3A_55 : memref<56x128xi32, #tpu.memory_space<hbm>>) dst(%dma_wait3A_53 : memref<56x128xi32, #tpu.memory_space<vmem>>)
      tpu.yield
    }) : () -> ()
    %add3A_9 = arith.constant 0 : i32
    %add3A_10 = arith.addi %select_n3A, %add3A_9 : i32
    "tpu.region"() ({
      %run_scoped3A = tpu.sem_alloc : memref<!tpu.dma_semaphore, #tpu.memory_space<semaphore_mem>>
      %dma_start3A = arith.constant 0 : i32
      %dma_start3A_38 = arith.constant 0 : i32
      %dma_start3A_39 = tpu.memref_slice %arg8[%dma_start3A, %dma_start3A_38] : memref<56x128xi32, #tpu.memory_space<vmem>> -> memref<56x128xi32, #tpu.memory_space<vmem>>
      %dma_start3A_40 = arith.constant 0 : i32
      %dma_start3A_41 = tpu.memref_slice %arg4[%add3A_10, %dma_start3A_40] : memref<2560x128xi32, #tpu.memory_space<hbm>> -> memref<56x128xi32, #tpu.memory_space<hbm>>
      %dma_start3A_42 = arith.constant 0 : i32
      %dma_start3A_43 = arith.constant 0 : i32
      %dma_start3A_44 = tpu.memref_slice %arg8[%dma_start3A_42, %dma_start3A_43] : memref<56x128xi32, #tpu.memory_space<vmem>> -> memref<56x128xi32, #tpu.memory_space<vmem>>
      %dma_start3A_45 = arith.constant 0 : i32
      %dma_start3A_46 = tpu.memref_slice %arg4[%add3A_10, %dma_start3A_45] : memref<2560x128xi32, #tpu.memory_space<hbm>> -> memref<56x128xi32, #tpu.memory_space<hbm>>
      tpu.enqueue_dma source(%dma_start3A_46 : memref<56x128xi32, #tpu.memory_space<hbm>>) target(%dma_start3A_44 : memref<56x128xi32, #tpu.memory_space<vmem>>) target_semaphore(%run_scoped3A : memref<!tpu.dma_semaphore, #tpu.memory_space<semaphore_mem>>)
      %dma_wait3A = arith.constant 0 : i32
      %dma_wait3A_47 = arith.constant 0 : i32
      %dma_wait3A_48 = tpu.memref_slice %arg8[%dma_wait3A, %dma_wait3A_47] : memref<56x128xi32, #tpu.memory_space<vmem>> -> memref<56x128xi32, #tpu.memory_space<vmem>>
      %dma_wait3A_49 = arith.constant 0 : i32
      %dma_wait3A_50 = tpu.memref_slice %arg4[%add3A_10, %dma_wait3A_49] : memref<2560x128xi32, #tpu.memory_space<hbm>> -> memref<56x128xi32, #tpu.memory_space<hbm>>
      %dma_wait3A_51 = arith.constant 0 : i32
      %dma_wait3A_52 = arith.constant 0 : i32
      %dma_wait3A_53 = tpu.memref_slice %arg8[%dma_wait3A_51, %dma_wait3A_52] : memref<56x128xi32, #tpu.memory_space<vmem>> -> memref<56x128xi32, #tpu.memory_space<vmem>>
      %dma_wait3A_54 = arith.constant 0 : i32
      %dma_wait3A_55 = tpu.memref_slice %arg4[%add3A_10, %dma_wait3A_54] : memref<2560x128xi32, #tpu.memory_space<hbm>> -> memref<56x128xi32, #tpu.memory_space<hbm>>
      tpu.wait_dma2 semaphore(%run_scoped3A : memref<!tpu.dma_semaphore, #tpu.memory_space<semaphore_mem>>) src(%dma_wait3A_55 : memref<56x128xi32, #tpu.memory_space<hbm>>) dst(%dma_wait3A_53 : memref<56x128xi32, #tpu.memory_space<vmem>>)
      tpu.yield
    }) : () -> ()
    %scan3A = arith.constant 0 : i32
    %scan3A_11 = arith.constant 0 : i32
    %scan3A_12 = arith.constant 56 : i32
    %scan3A_13 = arith.addi %scan3A_11, %scan3A_12 : i32
    %scan3A_14 = arith.constant 1 : i32
    scf.for %scan3A_38 = %scan3A_11 to %scan3A_13 step %scan3A_14  : i32 {
      %dma_start3A = arith.constant 0 : i32
      %dma_start3A_39 = tpu.memref_slice %arg7[%scan3A_38, %dma_start3A] : memref<56x128xi32, #tpu.memory_space<vmem>> -> memref<1x128xi32, #tpu.memory_space<vmem>>
      %dma_start3A_40 = tpu.memref_squeeze %dma_start3A_39 : memref<1x128xi32, #tpu.memory_space<vmem>> -> memref<128xi32, #tpu.memory_space<vmem>>
      %dma_start3A_41 = arith.constant 0 : i32
      %dma_start3A_42 = arith.constant 0 : i32
      %dma_start3A_43 = tpu.memref_slice %arg2[%dma_start3A_41, %dma_start3A_42] : memref<10000x128xf32, #tpu.memory_space<hbm>> -> memref<10000x128xf32, #tpu.memory_space<hbm>>
      tpu.enqueue_indirect_dma source(%dma_start3A_43 : memref<10000x128xf32, #tpu.memory_space<hbm>>) target(%arg9 : memref<128x128xf32, #tpu.memory_space<vmem>>) offsets(%dma_start3A_40 : memref<128xi32, #tpu.memory_space<vmem>>) semaphore(%arg10 : memref<!tpu.dma_semaphore, #tpu.memory_space<semaphore_mem>>)
      %dma_wait3A = arith.constant 0 : i32
      %dma_wait3A_44 = tpu.memref_slice %arg7[%scan3A_38, %dma_wait3A] : memref<56x128xi32, #tpu.memory_space<vmem>> -> memref<1x128xi32, #tpu.memory_space<vmem>>
      %dma_wait3A_45 = tpu.memref_squeeze %dma_wait3A_44 : memref<1x128xi32, #tpu.memory_space<vmem>> -> memref<128xi32, #tpu.memory_space<vmem>>
      %dma_wait3A_46 = arith.constant 0 : i32
      %dma_wait3A_47 = arith.constant 0 : i32
      %dma_wait3A_48 = tpu.memref_slice %arg2[%dma_wait3A_46, %dma_wait3A_47] : memref<10000x128xf32, #tpu.memory_space<hbm>> -> memref<10000x128xf32, #tpu.memory_space<hbm>>
      tpu.wait_indirect_dma semaphore(%arg10 : memref<!tpu.dma_semaphore, #tpu.memory_space<semaphore_mem>>) src(%dma_wait3A_48 : memref<10000x128xf32, #tpu.memory_space<hbm>>) dst(%arg9 : memref<128x128xf32, #tpu.memory_space<vmem>>)
      "tpu.region"() ({
        %run_scoped3A = tpu.sem_alloc : memref<!tpu.dma_semaphore, #tpu.memory_space<semaphore_mem>>
        %dma_start3A_49 = arith.constant 0 : i32
        %dma_start3A_50 = tpu.memref_slice %arg8[%scan3A_38, %dma_start3A_49] : memref<56x128xi32, #tpu.memory_space<vmem>> -> memref<1x128xi32, #tpu.memory_space<vmem>>
        %dma_start3A_51 = tpu.memref_squeeze %dma_start3A_50 : memref<1x128xi32, #tpu.memory_space<vmem>> -> memref<128xi32, #tpu.memory_space<vmem>>
        %dma_start3A_52 = arith.constant 0 : i32
        %dma_start3A_53 = arith.constant 0 : i32
        %dma_start3A_54 = tpu.memref_slice %arg11[%dma_start3A_52, %dma_start3A_53] : memref<10112x128xf32, #tpu.memory_space<vmem_shared>> -> memref<10112x128xf32, #tpu.memory_space<vmem_shared>>
        tpu.enqueue_indirect_dma source(%arg9 : memref<128x128xf32, #tpu.memory_space<vmem>>) target(%dma_start3A_54 : memref<10112x128xf32, #tpu.memory_space<vmem_shared>>) offsets(%dma_start3A_51 : memref<128xi32, #tpu.memory_space<vmem>>) semaphore(%run_scoped3A : memref<!tpu.dma_semaphore, #tpu.memory_space<semaphore_mem>>) {add = true}
        %dma_wait3A_55 = arith.constant 0 : i32
        %dma_wait3A_56 = tpu.memref_slice %arg8[%scan3A_38, %dma_wait3A_55] : memref<56x128xi32, #tpu.memory_space<vmem>> -> memref<1x128xi32, #tpu.memory_space<vmem>>
        %dma_wait3A_57 = tpu.memref_squeeze %dma_wait3A_56 : memref<1x128xi32, #tpu.memory_space<vmem>> -> memref<128xi32, #tpu.memory_space<vmem>>
        %dma_wait3A_58 = arith.constant 0 : i32
        %dma_wait3A_59 = arith.constant 0 : i32
        %dma_wait3A_60 = tpu.memref_slice %arg11[%dma_wait3A_58, %dma_wait3A_59] : memref<10112x128xf32, #tpu.memory_space<vmem_shared>> -> memref<10112x128xf32, #tpu.memory_space<vmem_shared>>
        tpu.wait_indirect_dma semaphore(%run_scoped3A : memref<!tpu.dma_semaphore, #tpu.memory_space<semaphore_mem>>) src(%arg9 : memref<128x128xf32, #tpu.memory_space<vmem>>) dst(%dma_wait3A_60 : memref<10112x128xf32, #tpu.memory_space<vmem_shared>>)
        tpu.yield
      }) : () -> ()
    }
    %scan3A_15 = arith.constant 56 : i32
    %add3A_16 = arith.constant 56 : i32
    %add3A_17 = arith.addi %select_n3A, %add3A_16 : i32
    "tpu.region"() ({
      %run_scoped3A = tpu.sem_alloc : memref<!tpu.dma_semaphore, #tpu.memory_space<semaphore_mem>>
      %dma_start3A = arith.constant 0 : i32
      %dma_start3A_38 = arith.constant 0 : i32
      %dma_start3A_39 = tpu.memref_slice %arg7[%dma_start3A, %dma_start3A_38] : memref<56x128xi32, #tpu.memory_space<vmem>> -> memref<48x128xi32, #tpu.memory_space<vmem>>
      %dma_start3A_40 = arith.constant 0 : i32
      %dma_start3A_41 = tpu.memref_slice %arg3[%add3A_17, %dma_start3A_40] : memref<2560x128xi32, #tpu.memory_space<hbm>> -> memref<48x128xi32, #tpu.memory_space<hbm>>
      %dma_start3A_42 = arith.constant 0 : i32
      %dma_start3A_43 = arith.constant 0 : i32
      %dma_start3A_44 = tpu.memref_slice %arg7[%dma_start3A_42, %dma_start3A_43] : memref<56x128xi32, #tpu.memory_space<vmem>> -> memref<48x128xi32, #tpu.memory_space<vmem>>
      %dma_start3A_45 = arith.constant 0 : i32
      %dma_start3A_46 = tpu.memref_slice %arg3[%add3A_17, %dma_start3A_45] : memref<2560x128xi32, #tpu.memory_space<hbm>> -> memref<48x128xi32, #tpu.memory_space<hbm>>
      tpu.enqueue_dma source(%dma_start3A_46 : memref<48x128xi32, #tpu.memory_space<hbm>>) target(%dma_start3A_44 : memref<48x128xi32, #tpu.memory_space<vmem>>) target_semaphore(%run_scoped3A : memref<!tpu.dma_semaphore, #tpu.memory_space<semaphore_mem>>)
      %dma_wait3A = arith.constant 0 : i32
      %dma_wait3A_47 = arith.constant 0 : i32
      %dma_wait3A_48 = tpu.memref_slice %arg7[%dma_wait3A, %dma_wait3A_47] : memref<56x128xi32, #tpu.memory_space<vmem>> -> memref<48x128xi32, #tpu.memory_space<vmem>>
      %dma_wait3A_49 = arith.constant 0 : i32
      %dma_wait3A_50 = tpu.memref_slice %arg3[%add3A_17, %dma_wait3A_49] : memref<2560x128xi32, #tpu.memory_space<hbm>> -> memref<48x128xi32, #tpu.memory_space<hbm>>
      %dma_wait3A_51 = arith.constant 0 : i32
      %dma_wait3A_52 = arith.constant 0 : i32
      %dma_wait3A_53 = tpu.memref_slice %arg7[%dma_wait3A_51, %dma_wait3A_52] : memref<56x128xi32, #tpu.memory_space<vmem>> -> memref<48x128xi32, #tpu.memory_space<vmem>>
      %dma_wait3A_54 = arith.constant 0 : i32
      %dma_wait3A_55 = tpu.memref_slice %arg3[%add3A_17, %dma_wait3A_54] : memref<2560x128xi32, #tpu.memory_space<hbm>> -> memref<48x128xi32, #tpu.memory_space<hbm>>
      tpu.wait_dma2 semaphore(%run_scoped3A : memref<!tpu.dma_semaphore, #tpu.memory_space<semaphore_mem>>) src(%dma_wait3A_55 : memref<48x128xi32, #tpu.memory_space<hbm>>) dst(%dma_wait3A_53 : memref<48x128xi32, #tpu.memory_space<vmem>>)
      tpu.yield
    }) : () -> ()
    %add3A_18 = arith.constant 56 : i32
    %add3A_19 = arith.addi %select_n3A, %add3A_18 : i32
    "tpu.region"() ({
      %run_scoped3A = tpu.sem_alloc : memref<!tpu.dma_semaphore, #tpu.memory_space<semaphore_mem>>
      %dma_start3A = arith.constant 0 : i32
      %dma_start3A_38 = arith.constant 0 : i32
      %dma_start3A_39 = tpu.memref_slice %arg8[%dma_start3A, %dma_start3A_38] : memref<56x128xi32, #tpu.memory_space<vmem>> -> memref<48x128xi32, #tpu.memory_space<vmem>>
      %dma_start3A_40 = arith.constant 0 : i32
      %dma_start3A_41 = tpu.memref_slice %arg4[%add3A_19, %dma_start3A_40] : memref<2560x128xi32, #tpu.memory_space<hbm>> -> memref<48x128xi32, #tpu.memory_space<hbm>>
      %dma_start3A_42 = arith.constant 0 : i32
      %dma_start3A_43 = arith.constant 0 : i32
      %dma_start3A_44 = tpu.memref_slice %arg8[%dma_start3A_42, %dma_start3A_43] : memref<56x128xi32, #tpu.memory_space<vmem>> -> memref<48x128xi32, #tpu.memory_space<vmem>>
      %dma_start3A_45 = arith.constant 0 : i32
      %dma_start3A_46 = tpu.memref_slice %arg4[%add3A_19, %dma_start3A_45] : memref<2560x128xi32, #tpu.memory_space<hbm>> -> memref<48x128xi32, #tpu.memory_space<hbm>>
      tpu.enqueue_dma source(%dma_start3A_46 : memref<48x128xi32, #tpu.memory_space<hbm>>) target(%dma_start3A_44 : memref<48x128xi32, #tpu.memory_space<vmem>>) target_semaphore(%run_scoped3A : memref<!tpu.dma_semaphore, #tpu.memory_space<semaphore_mem>>)
      %dma_wait3A = arith.constant 0 : i32
      %dma_wait3A_47 = arith.constant 0 : i32
      %dma_wait3A_48 = tpu.memref_slice %arg8[%dma_wait3A, %dma_wait3A_47] : memref<56x128xi32, #tpu.memory_space<vmem>> -> memref<48x128xi32, #tpu.memory_space<vmem>>
      %dma_wait3A_49 = arith.constant 0 : i32
      %dma_wait3A_50 = tpu.memref_slice %arg4[%add3A_19, %dma_wait3A_49] : memref<2560x128xi32, #tpu.memory_space<hbm>> -> memref<48x128xi32, #tpu.memory_space<hbm>>
      %dma_wait3A_51 = arith.constant 0 : i32
      %dma_wait3A_52 = arith.constant 0 : i32
      %dma_wait3A_53 = tpu.memref_slice %arg8[%dma_wait3A_51, %dma_wait3A_52] : memref<56x128xi32, #tpu.memory_space<vmem>> -> memref<48x128xi32, #tpu.memory_space<vmem>>
      %dma_wait3A_54 = arith.constant 0 : i32
      %dma_wait3A_55 = tpu.memref_slice %arg4[%add3A_19, %dma_wait3A_54] : memref<2560x128xi32, #tpu.memory_space<hbm>> -> memref<48x128xi32, #tpu.memory_space<hbm>>
      tpu.wait_dma2 semaphore(%run_scoped3A : memref<!tpu.dma_semaphore, #tpu.memory_space<semaphore_mem>>) src(%dma_wait3A_55 : memref<48x128xi32, #tpu.memory_space<hbm>>) dst(%dma_wait3A_53 : memref<48x128xi32, #tpu.memory_space<vmem>>)
      tpu.yield
    }) : () -> ()
    %eq3A_20 = arith.constant 0 : i32
    %eq3A_21 = arith.cmpi eq, %arg0, %eq3A_20 : i32
    %jit3A = arith.constant 48 : i32
    %jit3A_22 = arith.constant 0 : i32
    %select_n3A_23 = arith.select %eq3A_21, %jit3A, %jit3A_22 : i32
    %while3A = arith.constant 0 : i32
    %while3A_24 = arith.constant 0 : i32
    %while3A_25 = arith.subi %select_n3A_23, %while3A_24 : i32
    %while3A_26 = arith.addi %while3A_24, %while3A_25 : i32
    %while3A_27 = arith.constant 1 : i32
    %while3A_28 = arith.divsi %while3A_25, %while3A_27 : i32
    %while3A_29 = arith.muli %while3A_28, %while3A_27 : i32
    %while3A_30 = arith.addi %while3A_24, %while3A_29 : i32
    %while3A_31 = arith.constant 1 : i32
    scf.for %while3A_38 = %while3A_24 to %while3A_30 step %while3A_31  : i32 {
      %dma_start3A = arith.constant 0 : i32
      %dma_start3A_39 = tpu.memref_slice %arg7[%while3A_38, %dma_start3A] : memref<56x128xi32, #tpu.memory_space<vmem>> -> memref<1x128xi32, #tpu.memory_space<vmem>>
      %dma_start3A_40 = tpu.memref_squeeze %dma_start3A_39 : memref<1x128xi32, #tpu.memory_space<vmem>> -> memref<128xi32, #tpu.memory_space<vmem>>
      %dma_start3A_41 = arith.constant 0 : i32
      %dma_start3A_42 = arith.constant 0 : i32
      %dma_start3A_43 = tpu.memref_slice %arg2[%dma_start3A_41, %dma_start3A_42] : memref<10000x128xf32, #tpu.memory_space<hbm>> -> memref<10000x128xf32, #tpu.memory_space<hbm>>
      tpu.enqueue_indirect_dma source(%dma_start3A_43 : memref<10000x128xf32, #tpu.memory_space<hbm>>) target(%arg9 : memref<128x128xf32, #tpu.memory_space<vmem>>) offsets(%dma_start3A_40 : memref<128xi32, #tpu.memory_space<vmem>>) semaphore(%arg10 : memref<!tpu.dma_semaphore, #tpu.memory_space<semaphore_mem>>)
      %dma_wait3A = arith.constant 0 : i32
      %dma_wait3A_44 = tpu.memref_slice %arg7[%while3A_38, %dma_wait3A] : memref<56x128xi32, #tpu.memory_space<vmem>> -> memref<1x128xi32, #tpu.memory_space<vmem>>
      %dma_wait3A_45 = tpu.memref_squeeze %dma_wait3A_44 : memref<1x128xi32, #tpu.memory_space<vmem>> -> memref<128xi32, #tpu.memory_space<vmem>>
      %dma_wait3A_46 = arith.constant 0 : i32
      %dma_wait3A_47 = arith.constant 0 : i32
      %dma_wait3A_48 = tpu.memref_slice %arg2[%dma_wait3A_46, %dma_wait3A_47] : memref<10000x128xf32, #tpu.memory_space<hbm>> -> memref<10000x128xf32, #tpu.memory_space<hbm>>
      tpu.wait_indirect_dma semaphore(%arg10 : memref<!tpu.dma_semaphore, #tpu.memory_space<semaphore_mem>>) src(%dma_wait3A_48 : memref<10000x128xf32, #tpu.memory_space<hbm>>) dst(%arg9 : memref<128x128xf32, #tpu.memory_space<vmem>>)
      "tpu.region"() ({
        %run_scoped3A = tpu.sem_alloc : memref<!tpu.dma_semaphore, #tpu.memory_space<semaphore_mem>>
        %dma_start3A_49 = arith.constant 0 : i32
        %dma_start3A_50 = tpu.memref_slice %arg8[%while3A_38, %dma_start3A_49] : memref<56x128xi32, #tpu.memory_space<vmem>> -> memref<1x128xi32, #tpu.memory_space<vmem>>
        %dma_start3A_51 = tpu.memref_squeeze %dma_start3A_50 : memref<1x128xi32, #tpu.memory_space<vmem>> -> memref<128xi32, #tpu.memory_space<vmem>>
        %dma_start3A_52 = arith.constant 0 : i32
        %dma_start3A_53 = arith.constant 0 : i32
        %dma_start3A_54 = tpu.memref_slice %arg11[%dma_start3A_52, %dma_start3A_53] : memref<10112x128xf32, #tpu.memory_space<vmem_shared>> -> memref<10112x128xf32, #tpu.memory_space<vmem_shared>>
        tpu.enqueue_indirect_dma source(%arg9 : memref<128x128xf32, #tpu.memory_space<vmem>>) target(%dma_start3A_54 : memref<10112x128xf32, #tpu.memory_space<vmem_shared>>) offsets(%dma_start3A_51 : memref<128xi32, #tpu.memory_space<vmem>>) semaphore(%run_scoped3A : memref<!tpu.dma_semaphore, #tpu.memory_space<semaphore_mem>>) {add = true}
        %dma_wait3A_55 = arith.constant 0 : i32
        %dma_wait3A_56 = tpu.memref_slice %arg8[%while3A_38, %dma_wait3A_55] : memref<56x128xi32, #tpu.memory_space<vmem>> -> memref<1x128xi32, #tpu.memory_space<vmem>>
        %dma_wait3A_57 = tpu.memref_squeeze %dma_wait3A_56 : memref<1x128xi32, #tpu.memory_space<vmem>> -> memref<128xi32, #tpu.memory_space<vmem>>
        %dma_wait3A_58 = arith.constant 0 : i32
        %dma_wait3A_59 = arith.constant 0 : i32
        %dma_wait3A_60 = tpu.memref_slice %arg11[%dma_wait3A_58, %dma_wait3A_59] : memref<10112x128xf32, #tpu.memory_space<vmem_shared>> -> memref<10112x128xf32, #tpu.memory_space<vmem_shared>>
        tpu.wait_indirect_dma semaphore(%run_scoped3A : memref<!tpu.dma_semaphore, #tpu.memory_space<semaphore_mem>>) src(%arg9 : memref<128x128xf32, #tpu.memory_space<vmem>>) dst(%dma_wait3A_60 : memref<10112x128xf32, #tpu.memory_space<vmem_shared>>)
        tpu.yield
      }) : () -> ()
    }
    %while3A_32 = arith.constant 1 : i32
    scf.for %while3A_38 = %while3A_30 to %while3A_26 step %while3A_32  : i32 {
      %dma_start3A = arith.constant 0 : i32
      %dma_start3A_39 = tpu.memref_slice %arg7[%while3A_38, %dma_start3A] : memref<56x128xi32, #tpu.memory_space<vmem>> -> memref<1x128xi32, #tpu.memory_space<vmem>>
      %dma_start3A_40 = tpu.memref_squeeze %dma_start3A_39 : memref<1x128xi32, #tpu.memory_space<vmem>> -> memref<128xi32, #tpu.memory_space<vmem>>
      %dma_start3A_41 = arith.constant 0 : i32
      %dma_start3A_42 = arith.constant 0 : i32
      %dma_start3A_43 = tpu.memref_slice %arg2[%dma_start3A_41, %dma_start3A_42] : memref<10000x128xf32, #tpu.memory_space<hbm>> -> memref<10000x128xf32, #tpu.memory_space<hbm>>
      tpu.enqueue_indirect_dma source(%dma_start3A_43 : memref<10000x128xf32, #tpu.memory_space<hbm>>) target(%arg9 : memref<128x128xf32, #tpu.memory_space<vmem>>) offsets(%dma_start3A_40 : memref<128xi32, #tpu.memory_space<vmem>>) semaphore(%arg10 : memref<!tpu.dma_semaphore, #tpu.memory_space<semaphore_mem>>)
      %dma_wait3A = arith.constant 0 : i32
      %dma_wait3A_44 = tpu.memref_slice %arg7[%while3A_38, %dma_wait3A] : memref<56x128xi32, #tpu.memory_space<vmem>> -> memref<1x128xi32, #tpu.memory_space<vmem>>
      %dma_wait3A_45 = tpu.memref_squeeze %dma_wait3A_44 : memref<1x128xi32, #tpu.memory_space<vmem>> -> memref<128xi32, #tpu.memory_space<vmem>>
      %dma_wait3A_46 = arith.constant 0 : i32
      %dma_wait3A_47 = arith.constant 0 : i32
      %dma_wait3A_48 = tpu.memref_slice %arg2[%dma_wait3A_46, %dma_wait3A_47] : memref<10000x128xf32, #tpu.memory_space<hbm>> -> memref<10000x128xf32, #tpu.memory_space<hbm>>
      tpu.wait_indirect_dma semaphore(%arg10 : memref<!tpu.dma_semaphore, #tpu.memory_space<semaphore_mem>>) src(%dma_wait3A_48 : memref<10000x128xf32, #tpu.memory_space<hbm>>) dst(%arg9 : memref<128x128xf32, #tpu.memory_space<vmem>>)
      "tpu.region"() ({
        %run_scoped3A = tpu.sem_alloc : memref<!tpu.dma_semaphore, #tpu.memory_space<semaphore_mem>>
        %dma_start3A_49 = arith.constant 0 : i32
        %dma_start3A_50 = tpu.memref_slice %arg8[%while3A_38, %dma_start3A_49] : memref<56x128xi32, #tpu.memory_space<vmem>> -> memref<1x128xi32, #tpu.memory_space<vmem>>
        %dma_start3A_51 = tpu.memref_squeeze %dma_start3A_50 : memref<1x128xi32, #tpu.memory_space<vmem>> -> memref<128xi32, #tpu.memory_space<vmem>>
        %dma_start3A_52 = arith.constant 0 : i32
        %dma_start3A_53 = arith.constant 0 : i32
        %dma_start3A_54 = tpu.memref_slice %arg11[%dma_start3A_52, %dma_start3A_53] : memref<10112x128xf32, #tpu.memory_space<vmem_shared>> -> memref<10112x128xf32, #tpu.memory_space<vmem_shared>>
        tpu.enqueue_indirect_dma source(%arg9 : memref<128x128xf32, #tpu.memory_space<vmem>>) target(%dma_start3A_54 : memref<10112x128xf32, #tpu.memory_space<vmem_shared>>) offsets(%dma_start3A_51 : memref<128xi32, #tpu.memory_space<vmem>>) semaphore(%run_scoped3A : memref<!tpu.dma_semaphore, #tpu.memory_space<semaphore_mem>>) {add = true}
        %dma_wait3A_55 = arith.constant 0 : i32
        %dma_wait3A_56 = tpu.memref_slice %arg8[%while3A_38, %dma_wait3A_55] : memref<56x128xi32, #tpu.memory_space<vmem>> -> memref<1x128xi32, #tpu.memory_space<vmem>>
        %dma_wait3A_57 = tpu.memref_squeeze %dma_wait3A_56 : memref<1x128xi32, #tpu.memory_space<vmem>> -> memref<128xi32, #tpu.memory_space<vmem>>
        %dma_wait3A_58 = arith.constant 0 : i32
        %dma_wait3A_59 = arith.constant 0 : i32
        %dma_wait3A_60 = tpu.memref_slice %arg11[%dma_wait3A_58, %dma_wait3A_59] : memref<10112x128xf32, #tpu.memory_space<vmem_shared>> -> memref<10112x128xf32, #tpu.memory_space<vmem_shared>>
        tpu.wait_indirect_dma semaphore(%run_scoped3A : memref<!tpu.dma_semaphore, #tpu.memory_space<semaphore_mem>>) src(%arg9 : memref<128x128xf32, #tpu.memory_space<vmem>>) dst(%dma_wait3A_60 : memref<10112x128xf32, #tpu.memory_space<vmem_shared>>)
        tpu.yield
      }) : () -> ()
    }
    %barrier3A_33 = arith.constant 0 : index
    tpu.barrier barrier_id(%barrier3A_33)
    %mul3A_34 = arith.constant 632 : i32
    %mul3A_35 = arith.muli %arg1, %mul3A_34 : i32
    %mul3A_36 = arith.constant 632 : i32
    %mul3A_37 = arith.muli %arg1, %mul3A_36 : i32
    "tpu.region"() ({
      %run_scoped3A = tpu.sem_alloc : memref<!tpu.dma_semaphore, #tpu.memory_space<semaphore_mem>>
      %dma_start3A = arith.constant 0 : i32
      %dma_start3A_38 = tpu.memref_slice %arg6[%arg0, %mul3A_37, %dma_start3A] : memref<2x10112x128xf32, #tpu.memory_space<hbm>> -> memref<1x632x128xf32, #tpu.memory_space<hbm>>
      %dma_start3A_39 = tpu.memref_squeeze %dma_start3A_38 : memref<1x632x128xf32, #tpu.memory_space<hbm>> -> memref<632x128xf32, #tpu.memory_space<hbm>>
      %dma_start3A_40 = arith.constant 0 : i32
      %dma_start3A_41 = tpu.memref_slice %arg11[%mul3A_35, %dma_start3A_40] : memref<10112x128xf32, #tpu.memory_space<vmem_shared>> -> memref<632x128xf32, #tpu.memory_space<vmem_shared>>
      tpu.enqueue_dma source(%dma_start3A_41 : memref<632x128xf32, #tpu.memory_space<vmem_shared>>) target(%dma_start3A_39 : memref<632x128xf32, #tpu.memory_space<hbm>>) target_semaphore(%run_scoped3A : memref<!tpu.dma_semaphore, #tpu.memory_space<semaphore_mem>>)
      %dma_wait3A = arith.constant 0 : i32
      %dma_wait3A_42 = tpu.memref_slice %arg6[%arg0, %mul3A_37, %dma_wait3A] : memref<2x10112x128xf32, #tpu.memory_space<hbm>> -> memref<1x632x128xf32, #tpu.memory_space<hbm>>
      %dma_wait3A_43 = tpu.memref_squeeze %dma_wait3A_42 : memref<1x632x128xf32, #tpu.memory_space<hbm>> -> memref<632x128xf32, #tpu.memory_space<hbm>>
      %dma_wait3A_44 = arith.constant 0 : i32
      %dma_wait3A_45 = tpu.memref_slice %arg11[%mul3A_35, %dma_wait3A_44] : memref<10112x128xf32, #tpu.memory_space<vmem_shared>> -> memref<632x128xf32, #tpu.memory_space<vmem_shared>>
      tpu.wait_dma2 semaphore(%run_scoped3A : memref<!tpu.dma_semaphore, #tpu.memory_space<semaphore_mem>>) src(%dma_wait3A_45 : memref<632x128xf32, #tpu.memory_space<vmem_shared>>) dst(%dma_wait3A_43 : memref<632x128xf32, #tpu.memory_space<hbm>>)
      tpu.yield
    }) : () -> ()
    return
  }
}

#map = affine_map<(d0, d1) -> (0, 0)>
#map1 = affine_map<(d0, d1) -> (0, 0, 0)>
module attributes {stable_mosaic.version = 14 : i64} {
  func.func @_prop_body(%arg0: i32, %arg1: i32, %arg2: memref<10000x128xf32, #tpu.memory_space<hbm>>, %arg3: memref<2560x128xi32, #tpu.memory_space<hbm>>, %arg4: memref<2560x128xi32, #tpu.memory_space<hbm>>, %arg5: memref<632x128xf32, #tpu.memory_space<hbm>>, %arg6: memref<2x10112x128xf32, #tpu.memory_space<hbm>>, %arg7: memref<56x128xi32, #tpu.memory_space<vmem>>, %arg8: memref<56x128xi32, #tpu.memory_space<vmem>>, %arg9: memref<128x128xf32, #tpu.memory_space<vmem>>, %arg10: memref<!tpu.dma_semaphore, #tpu.memory_space<semaphore_mem>>, %arg11: memref<10112x128xf32, #tpu.memory_space<vmem_shared>>) attributes {dimension_semantics = [#tpu.dimension_semantics<core_parallel>, #tpu.dimension_semantics<subcore_parallel>], iteration_bounds = array<i64: 2, 16>, scalar_prefetch = 0 : i64, scratch_operands = 5 : i64, tpu.core_type = #tpu.core_type<sc_vector_subcore>, window_params = [{transform_indices = #map}, {transform_indices = #map}, {transform_indices = #map}, {transform_indices = #map}, {transform_indices = #map1}]} {
    %eq3A = arith.constant 0 : i32
    %eq3A_0 = arith.cmpi eq, %arg0, %eq3A : i32
    %mul3A = arith.constant 104 : i32
    %mul3A_1 = arith.muli %arg1, %mul3A : i32
    %add3A = arith.constant 896 : i32
    %add3A_2 = arith.addi %add3A, %mul3A_1 : i32
    %mul3A_3 = arith.constant 56 : i32
    %mul3A_4 = arith.muli %arg1, %mul3A_3 : i32
    %select_n3A = arith.select %eq3A_0, %add3A_2, %mul3A_4 : i32
    %mul3A_5 = arith.constant 632 : i32
    %mul3A_6 = arith.muli %arg1, %mul3A_5 : i32
    "tpu.region"() ({
      %run_scoped3A = tpu.sem_alloc : memref<!tpu.dma_semaphore, #tpu.memory_space<semaphore_mem>>
      %dma_start3A = arith.constant 0 : i32
      %dma_start3A_38 = tpu.memref_slice %arg11[%mul3A_6, %dma_start3A] : memref<10112x128xf32, #tpu.memory_space<vmem_shared>> -> memref<632x128xf32, #tpu.memory_space<vmem_shared>>
      tpu.enqueue_dma source(%arg5 : memref<632x128xf32, #tpu.memory_space<hbm>>) target(%dma_start3A_38 : memref<632x128xf32, #tpu.memory_space<vmem_shared>>) target_semaphore(%run_scoped3A : memref<!tpu.dma_semaphore, #tpu.memory_space<semaphore_mem>>)
      %dma_wait3A = arith.constant 0 : i32
      %dma_wait3A_39 = tpu.memref_slice %arg11[%mul3A_6, %dma_wait3A] : memref<10112x128xf32, #tpu.memory_space<vmem_shared>> -> memref<632x128xf32, #tpu.memory_space<vmem_shared>>
      tpu.wait_dma2 semaphore(%run_scoped3A : memref<!tpu.dma_semaphore, #tpu.memory_space<semaphore_mem>>) src(%arg5 : memref<632x128xf32, #tpu.memory_space<hbm>>) dst(%dma_wait3A_39 : memref<632x128xf32, #tpu.memory_space<vmem_shared>>)
      tpu.yield
    }) : () -> ()
    %barrier3A = arith.constant 0 : index
    tpu.barrier barrier_id(%barrier3A)
    %add3A_7 = arith.constant 0 : i32
    %add3A_8 = arith.addi %select_n3A, %add3A_7 : i32
    "tpu.region"() ({
      %run_scoped3A = tpu.sem_alloc : memref<!tpu.dma_semaphore, #tpu.memory_space<semaphore_mem>>
      %dma_start3A = arith.constant 0 : i32
      %dma_start3A_38 = arith.constant 0 : i32
      %dma_start3A_39 = tpu.memref_slice %arg7[%dma_start3A, %dma_start3A_38] : memref<56x128xi32, #tpu.memory_space<vmem>> -> memref<56x128xi32, #tpu.memory_space<vmem>>
      %dma_start3A_40 = arith.constant 0 : i32
      %dma_start3A_41 = tpu.memref_slice %arg3[%add3A_8, %dma_start3A_40] : memref<2560x128xi32, #tpu.memory_space<hbm>> -> memref<56x128xi32, #tpu.memory_space<hbm>>
      %dma_start3A_42 = arith.constant 0 : i32
      %dma_start3A_43 = arith.constant 0 : i32
      %dma_start3A_44 = tpu.memref_slice %arg7[%dma_start3A_42, %dma_start3A_43] : memref<56x128xi32, #tpu.memory_space<vmem>> -> memref<56x128xi32, #tpu.memory_space<vmem>>
      %dma_start3A_45 = arith.constant 0 : i32
      %dma_start3A_46 = tpu.memref_slice %arg3[%add3A_8, %dma_start3A_45] : memref<2560x128xi32, #tpu.memory_space<hbm>> -> memref<56x128xi32, #tpu.memory_space<hbm>>
      tpu.enqueue_dma source(%dma_start3A_46 : memref<56x128xi32, #tpu.memory_space<hbm>>) target(%dma_start3A_44 : memref<56x128xi32, #tpu.memory_space<vmem>>) target_semaphore(%run_scoped3A : memref<!tpu.dma_semaphore, #tpu.memory_space<semaphore_mem>>)
      %dma_wait3A = arith.constant 0 : i32
      %dma_wait3A_47 = arith.constant 0 : i32
      %dma_wait3A_48 = tpu.memref_slice %arg7[%dma_wait3A, %dma_wait3A_47] : memref<56x128xi32, #tpu.memory_space<vmem>> -> memref<56x128xi32, #tpu.memory_space<vmem>>
      %dma_wait3A_49 = arith.constant 0 : i32
      %dma_wait3A_50 = tpu.memref_slice %arg3[%add3A_8, %dma_wait3A_49] : memref<2560x128xi32, #tpu.memory_space<hbm>> -> memref<56x128xi32, #tpu.memory_space<hbm>>
      %dma_wait3A_51 = arith.constant 0 : i32
      %dma_wait3A_52 = arith.constant 0 : i32
      %dma_wait3A_53 = tpu.memref_slice %arg7[%dma_wait3A_51, %dma_wait3A_52] : memref<56x128xi32, #tpu.memory_space<vmem>> -> memref<56x128xi32, #tpu.memory_space<vmem>>
      %dma_wait3A_54 = arith.constant 0 : i32
      %dma_wait3A_55 = tpu.memref_slice %arg3[%add3A_8, %dma_wait3A_54] : memref<2560x128xi32, #tpu.memory_space<hbm>> -> memref<56x128xi32, #tpu.memory_space<hbm>>
      tpu.wait_dma2 semaphore(%run_scoped3A : memref<!tpu.dma_semaphore, #tpu.memory_space<semaphore_mem>>) src(%dma_wait3A_55 : memref<56x128xi32, #tpu.memory_space<hbm>>) dst(%dma_wait3A_53 : memref<56x128xi32, #tpu.memory_space<vmem>>)
      tpu.yield
    }) : () -> ()
    %add3A_9 = arith.constant 0 : i32
    %add3A_10 = arith.addi %select_n3A, %add3A_9 : i32
    "tpu.region"() ({
      %run_scoped3A = tpu.sem_alloc : memref<!tpu.dma_semaphore, #tpu.memory_space<semaphore_mem>>
      %dma_start3A = arith.constant 0 : i32
      %dma_start3A_38 = arith.constant 0 : i32
      %dma_start3A_39 = tpu.memref_slice %arg8[%dma_start3A, %dma_start3A_38] : memref<56x128xi32, #tpu.memory_space<vmem>> -> memref<56x128xi32, #tpu.memory_space<vmem>>
      %dma_start3A_40 = arith.constant 0 : i32
      %dma_start3A_41 = tpu.memref_slice %arg4[%add3A_10, %dma_start3A_40] : memref<2560x128xi32, #tpu.memory_space<hbm>> -> memref<56x128xi32, #tpu.memory_space<hbm>>
      %dma_start3A_42 = arith.constant 0 : i32
      %dma_start3A_43 = arith.constant 0 : i32
      %dma_start3A_44 = tpu.memref_slice %arg8[%dma_start3A_42, %dma_start3A_43] : memref<56x128xi32, #tpu.memory_space<vmem>> -> memref<56x128xi32, #tpu.memory_space<vmem>>
      %dma_start3A_45 = arith.constant 0 : i32
      %dma_start3A_46 = tpu.memref_slice %arg4[%add3A_10, %dma_start3A_45] : memref<2560x128xi32, #tpu.memory_space<hbm>> -> memref<56x128xi32, #tpu.memory_space<hbm>>
      tpu.enqueue_dma source(%dma_start3A_46 : memref<56x128xi32, #tpu.memory_space<hbm>>) target(%dma_start3A_44 : memref<56x128xi32, #tpu.memory_space<vmem>>) target_semaphore(%run_scoped3A : memref<!tpu.dma_semaphore, #tpu.memory_space<semaphore_mem>>)
      %dma_wait3A = arith.constant 0 : i32
      %dma_wait3A_47 = arith.constant 0 : i32
      %dma_wait3A_48 = tpu.memref_slice %arg8[%dma_wait3A, %dma_wait3A_47] : memref<56x128xi32, #tpu.memory_space<vmem>> -> memref<56x128xi32, #tpu.memory_space<vmem>>
      %dma_wait3A_49 = arith.constant 0 : i32
      %dma_wait3A_50 = tpu.memref_slice %arg4[%add3A_10, %dma_wait3A_49] : memref<2560x128xi32, #tpu.memory_space<hbm>> -> memref<56x128xi32, #tpu.memory_space<hbm>>
      %dma_wait3A_51 = arith.constant 0 : i32
      %dma_wait3A_52 = arith.constant 0 : i32
      %dma_wait3A_53 = tpu.memref_slice %arg8[%dma_wait3A_51, %dma_wait3A_52] : memref<56x128xi32, #tpu.memory_space<vmem>> -> memref<56x128xi32, #tpu.memory_space<vmem>>
      %dma_wait3A_54 = arith.constant 0 : i32
      %dma_wait3A_55 = tpu.memref_slice %arg4[%add3A_10, %dma_wait3A_54] : memref<2560x128xi32, #tpu.memory_space<hbm>> -> memref<56x128xi32, #tpu.memory_space<hbm>>
      tpu.wait_dma2 semaphore(%run_scoped3A : memref<!tpu.dma_semaphore, #tpu.memory_space<semaphore_mem>>) src(%dma_wait3A_55 : memref<56x128xi32, #tpu.memory_space<hbm>>) dst(%dma_wait3A_53 : memref<56x128xi32, #tpu.memory_space<vmem>>)
      tpu.yield
    }) : () -> ()
    %scan3A = arith.constant 0 : i32
    %scan3A_11 = arith.constant 0 : i32
    %scan3A_12 = arith.constant 56 : i32
    %scan3A_13 = arith.addi %scan3A_11, %scan3A_12 : i32
    %scan3A_14 = arith.constant 1 : i32
    scf.for %scan3A_38 = %scan3A_11 to %scan3A_13 step %scan3A_14  : i32 {
      %dma_start3A = arith.constant 0 : i32
      %dma_start3A_39 = tpu.memref_slice %arg7[%scan3A_38, %dma_start3A] : memref<56x128xi32, #tpu.memory_space<vmem>> -> memref<1x128xi32, #tpu.memory_space<vmem>>
      %dma_start3A_40 = tpu.memref_squeeze %dma_start3A_39 : memref<1x128xi32, #tpu.memory_space<vmem>> -> memref<128xi32, #tpu.memory_space<vmem>>
      %dma_start3A_41 = arith.constant 0 : i32
      %dma_start3A_42 = arith.constant 0 : i32
      %dma_start3A_43 = tpu.memref_slice %arg2[%dma_start3A_41, %dma_start3A_42] : memref<10000x128xf32, #tpu.memory_space<hbm>> -> memref<10000x128xf32, #tpu.memory_space<hbm>>
      tpu.enqueue_indirect_dma source(%dma_start3A_43 : memref<10000x128xf32, #tpu.memory_space<hbm>>) target(%arg9 : memref<128x128xf32, #tpu.memory_space<vmem>>) offsets(%dma_start3A_40 : memref<128xi32, #tpu.memory_space<vmem>>) semaphore(%arg10 : memref<!tpu.dma_semaphore, #tpu.memory_space<semaphore_mem>>)
      %dma_wait3A = arith.constant 0 : i32
      %dma_wait3A_44 = tpu.memref_slice %arg7[%scan3A_38, %dma_wait3A] : memref<56x128xi32, #tpu.memory_space<vmem>> -> memref<1x128xi32, #tpu.memory_space<vmem>>
      %dma_wait3A_45 = tpu.memref_squeeze %dma_wait3A_44 : memref<1x128xi32, #tpu.memory_space<vmem>> -> memref<128xi32, #tpu.memory_space<vmem>>
      %dma_wait3A_46 = arith.constant 0 : i32
      %dma_wait3A_47 = arith.constant 0 : i32
      %dma_wait3A_48 = tpu.memref_slice %arg2[%dma_wait3A_46, %dma_wait3A_47] : memref<10000x128xf32, #tpu.memory_space<hbm>> -> memref<10000x128xf32, #tpu.memory_space<hbm>>
      tpu.wait_indirect_dma semaphore(%arg10 : memref<!tpu.dma_semaphore, #tpu.memory_space<semaphore_mem>>) src(%dma_wait3A_48 : memref<10000x128xf32, #tpu.memory_space<hbm>>) dst(%arg9 : memref<128x128xf32, #tpu.memory_space<vmem>>)
      "tpu.region"() ({
        %run_scoped3A = tpu.sem_alloc : memref<!tpu.dma_semaphore, #tpu.memory_space<semaphore_mem>>
        %dma_start3A_49 = arith.constant 0 : i32
        %dma_start3A_50 = tpu.memref_slice %arg8[%scan3A_38, %dma_start3A_49] : memref<56x128xi32, #tpu.memory_space<vmem>> -> memref<1x128xi32, #tpu.memory_space<vmem>>
        %dma_start3A_51 = tpu.memref_squeeze %dma_start3A_50 : memref<1x128xi32, #tpu.memory_space<vmem>> -> memref<128xi32, #tpu.memory_space<vmem>>
        %dma_start3A_52 = arith.constant 0 : i32
        %dma_start3A_53 = arith.constant 0 : i32
        %dma_start3A_54 = tpu.memref_slice %arg11[%dma_start3A_52, %dma_start3A_53] : memref<10112x128xf32, #tpu.memory_space<vmem_shared>> -> memref<10112x128xf32, #tpu.memory_space<vmem_shared>>
        tpu.enqueue_indirect_dma source(%arg9 : memref<128x128xf32, #tpu.memory_space<vmem>>) target(%dma_start3A_54 : memref<10112x128xf32, #tpu.memory_space<vmem_shared>>) offsets(%dma_start3A_51 : memref<128xi32, #tpu.memory_space<vmem>>) semaphore(%run_scoped3A : memref<!tpu.dma_semaphore, #tpu.memory_space<semaphore_mem>>) {add = true}
        %dma_wait3A_55 = arith.constant 0 : i32
        %dma_wait3A_56 = tpu.memref_slice %arg8[%scan3A_38, %dma_wait3A_55] : memref<56x128xi32, #tpu.memory_space<vmem>> -> memref<1x128xi32, #tpu.memory_space<vmem>>
        %dma_wait3A_57 = tpu.memref_squeeze %dma_wait3A_56 : memref<1x128xi32, #tpu.memory_space<vmem>> -> memref<128xi32, #tpu.memory_space<vmem>>
        %dma_wait3A_58 = arith.constant 0 : i32
        %dma_wait3A_59 = arith.constant 0 : i32
        %dma_wait3A_60 = tpu.memref_slice %arg11[%dma_wait3A_58, %dma_wait3A_59] : memref<10112x128xf32, #tpu.memory_space<vmem_shared>> -> memref<10112x128xf32, #tpu.memory_space<vmem_shared>>
        tpu.wait_indirect_dma semaphore(%run_scoped3A : memref<!tpu.dma_semaphore, #tpu.memory_space<semaphore_mem>>) src(%arg9 : memref<128x128xf32, #tpu.memory_space<vmem>>) dst(%dma_wait3A_60 : memref<10112x128xf32, #tpu.memory_space<vmem_shared>>)
        tpu.yield
      }) : () -> ()
    }
    %scan3A_15 = arith.constant 56 : i32
    %add3A_16 = arith.constant 56 : i32
    %add3A_17 = arith.addi %select_n3A, %add3A_16 : i32
    "tpu.region"() ({
      %run_scoped3A = tpu.sem_alloc : memref<!tpu.dma_semaphore, #tpu.memory_space<semaphore_mem>>
      %dma_start3A = arith.constant 0 : i32
      %dma_start3A_38 = arith.constant 0 : i32
      %dma_start3A_39 = tpu.memref_slice %arg7[%dma_start3A, %dma_start3A_38] : memref<56x128xi32, #tpu.memory_space<vmem>> -> memref<48x128xi32, #tpu.memory_space<vmem>>
      %dma_start3A_40 = arith.constant 0 : i32
      %dma_start3A_41 = tpu.memref_slice %arg3[%add3A_17, %dma_start3A_40] : memref<2560x128xi32, #tpu.memory_space<hbm>> -> memref<48x128xi32, #tpu.memory_space<hbm>>
      %dma_start3A_42 = arith.constant 0 : i32
      %dma_start3A_43 = arith.constant 0 : i32
      %dma_start3A_44 = tpu.memref_slice %arg7[%dma_start3A_42, %dma_start3A_43] : memref<56x128xi32, #tpu.memory_space<vmem>> -> memref<48x128xi32, #tpu.memory_space<vmem>>
      %dma_start3A_45 = arith.constant 0 : i32
      %dma_start3A_46 = tpu.memref_slice %arg3[%add3A_17, %dma_start3A_45] : memref<2560x128xi32, #tpu.memory_space<hbm>> -> memref<48x128xi32, #tpu.memory_space<hbm>>
      tpu.enqueue_dma source(%dma_start3A_46 : memref<48x128xi32, #tpu.memory_space<hbm>>) target(%dma_start3A_44 : memref<48x128xi32, #tpu.memory_space<vmem>>) target_semaphore(%run_scoped3A : memref<!tpu.dma_semaphore, #tpu.memory_space<semaphore_mem>>)
      %dma_wait3A = arith.constant 0 : i32
      %dma_wait3A_47 = arith.constant 0 : i32
      %dma_wait3A_48 = tpu.memref_slice %arg7[%dma_wait3A, %dma_wait3A_47] : memref<56x128xi32, #tpu.memory_space<vmem>> -> memref<48x128xi32, #tpu.memory_space<vmem>>
      %dma_wait3A_49 = arith.constant 0 : i32
      %dma_wait3A_50 = tpu.memref_slice %arg3[%add3A_17, %dma_wait3A_49] : memref<2560x128xi32, #tpu.memory_space<hbm>> -> memref<48x128xi32, #tpu.memory_space<hbm>>
      %dma_wait3A_51 = arith.constant 0 : i32
      %dma_wait3A_52 = arith.constant 0 : i32
      %dma_wait3A_53 = tpu.memref_slice %arg7[%dma_wait3A_51, %dma_wait3A_52] : memref<56x128xi32, #tpu.memory_space<vmem>> -> memref<48x128xi32, #tpu.memory_space<vmem>>
      %dma_wait3A_54 = arith.constant 0 : i32
      %dma_wait3A_55 = tpu.memref_slice %arg3[%add3A_17, %dma_wait3A_54] : memref<2560x128xi32, #tpu.memory_space<hbm>> -> memref<48x128xi32, #tpu.memory_space<hbm>>
      tpu.wait_dma2 semaphore(%run_scoped3A : memref<!tpu.dma_semaphore, #tpu.memory_space<semaphore_mem>>) src(%dma_wait3A_55 : memref<48x128xi32, #tpu.memory_space<hbm>>) dst(%dma_wait3A_53 : memref<48x128xi32, #tpu.memory_space<vmem>>)
      tpu.yield
    }) : () -> ()
    %add3A_18 = arith.constant 56 : i32
    %add3A_19 = arith.addi %select_n3A, %add3A_18 : i32
    "tpu.region"() ({
      %run_scoped3A = tpu.sem_alloc : memref<!tpu.dma_semaphore, #tpu.memory_space<semaphore_mem>>
      %dma_start3A = arith.constant 0 : i32
      %dma_start3A_38 = arith.constant 0 : i32
      %dma_start3A_39 = tpu.memref_slice %arg8[%dma_start3A, %dma_start3A_38] : memref<56x128xi32, #tpu.memory_space<vmem>> -> memref<48x128xi32, #tpu.memory_space<vmem>>
      %dma_start3A_40 = arith.constant 0 : i32
      %dma_start3A_41 = tpu.memref_slice %arg4[%add3A_19, %dma_start3A_40] : memref<2560x128xi32, #tpu.memory_space<hbm>> -> memref<48x128xi32, #tpu.memory_space<hbm>>
      %dma_start3A_42 = arith.constant 0 : i32
      %dma_start3A_43 = arith.constant 0 : i32
      %dma_start3A_44 = tpu.memref_slice %arg8[%dma_start3A_42, %dma_start3A_43] : memref<56x128xi32, #tpu.memory_space<vmem>> -> memref<48x128xi32, #tpu.memory_space<vmem>>
      %dma_start3A_45 = arith.constant 0 : i32
      %dma_start3A_46 = tpu.memref_slice %arg4[%add3A_19, %dma_start3A_45] : memref<2560x128xi32, #tpu.memory_space<hbm>> -> memref<48x128xi32, #tpu.memory_space<hbm>>
      tpu.enqueue_dma source(%dma_start3A_46 : memref<48x128xi32, #tpu.memory_space<hbm>>) target(%dma_start3A_44 : memref<48x128xi32, #tpu.memory_space<vmem>>) target_semaphore(%run_scoped3A : memref<!tpu.dma_semaphore, #tpu.memory_space<semaphore_mem>>)
      %dma_wait3A = arith.constant 0 : i32
      %dma_wait3A_47 = arith.constant 0 : i32
      %dma_wait3A_48 = tpu.memref_slice %arg8[%dma_wait3A, %dma_wait3A_47] : memref<56x128xi32, #tpu.memory_space<vmem>> -> memref<48x128xi32, #tpu.memory_space<vmem>>
      %dma_wait3A_49 = arith.constant 0 : i32
      %dma_wait3A_50 = tpu.memref_slice %arg4[%add3A_19, %dma_wait3A_49] : memref<2560x128xi32, #tpu.memory_space<hbm>> -> memref<48x128xi32, #tpu.memory_space<hbm>>
      %dma_wait3A_51 = arith.constant 0 : i32
      %dma_wait3A_52 = arith.constant 0 : i32
      %dma_wait3A_53 = tpu.memref_slice %arg8[%dma_wait3A_51, %dma_wait3A_52] : memref<56x128xi32, #tpu.memory_space<vmem>> -> memref<48x128xi32, #tpu.memory_space<vmem>>
      %dma_wait3A_54 = arith.constant 0 : i32
      %dma_wait3A_55 = tpu.memref_slice %arg4[%add3A_19, %dma_wait3A_54] : memref<2560x128xi32, #tpu.memory_space<hbm>> -> memref<48x128xi32, #tpu.memory_space<hbm>>
      tpu.wait_dma2 semaphore(%run_scoped3A : memref<!tpu.dma_semaphore, #tpu.memory_space<semaphore_mem>>) src(%dma_wait3A_55 : memref<48x128xi32, #tpu.memory_space<hbm>>) dst(%dma_wait3A_53 : memref<48x128xi32, #tpu.memory_space<vmem>>)
      tpu.yield
    }) : () -> ()
    %eq3A_20 = arith.constant 0 : i32
    %eq3A_21 = arith.cmpi eq, %arg0, %eq3A_20 : i32
    %jit3A = arith.constant 48 : i32
    %jit3A_22 = arith.constant 0 : i32
    %select_n3A_23 = arith.select %eq3A_21, %jit3A, %jit3A_22 : i32
    %while3A = arith.constant 0 : i32
    %while3A_24 = arith.constant 0 : i32
    %while3A_25 = arith.subi %select_n3A_23, %while3A_24 : i32
    %while3A_26 = arith.addi %while3A_24, %while3A_25 : i32
    %while3A_27 = arith.constant 1 : i32
    %while3A_28 = arith.divsi %while3A_25, %while3A_27 : i32
    %while3A_29 = arith.muli %while3A_28, %while3A_27 : i32
    %while3A_30 = arith.addi %while3A_24, %while3A_29 : i32
    %while3A_31 = arith.constant 1 : i32
    scf.for %while3A_38 = %while3A_24 to %while3A_30 step %while3A_31  : i32 {
      %dma_start3A = arith.constant 0 : i32
      %dma_start3A_39 = tpu.memref_slice %arg7[%while3A_38, %dma_start3A] : memref<56x128xi32, #tpu.memory_space<vmem>> -> memref<1x128xi32, #tpu.memory_space<vmem>>
      %dma_start3A_40 = tpu.memref_squeeze %dma_start3A_39 : memref<1x128xi32, #tpu.memory_space<vmem>> -> memref<128xi32, #tpu.memory_space<vmem>>
      %dma_start3A_41 = arith.constant 0 : i32
      %dma_start3A_42 = arith.constant 0 : i32
      %dma_start3A_43 = tpu.memref_slice %arg2[%dma_start3A_41, %dma_start3A_42] : memref<10000x128xf32, #tpu.memory_space<hbm>> -> memref<10000x128xf32, #tpu.memory_space<hbm>>
      tpu.enqueue_indirect_dma source(%dma_start3A_43 : memref<10000x128xf32, #tpu.memory_space<hbm>>) target(%arg9 : memref<128x128xf32, #tpu.memory_space<vmem>>) offsets(%dma_start3A_40 : memref<128xi32, #tpu.memory_space<vmem>>) semaphore(%arg10 : memref<!tpu.dma_semaphore, #tpu.memory_space<semaphore_mem>>)
      %dma_wait3A = arith.constant 0 : i32
      %dma_wait3A_44 = tpu.memref_slice %arg7[%while3A_38, %dma_wait3A] : memref<56x128xi32, #tpu.memory_space<vmem>> -> memref<1x128xi32, #tpu.memory_space<vmem>>
      %dma_wait3A_45 = tpu.memref_squeeze %dma_wait3A_44 : memref<1x128xi32, #tpu.memory_space<vmem>> -> memref<128xi32, #tpu.memory_space<vmem>>
      %dma_wait3A_46 = arith.constant 0 : i32
      %dma_wait3A_47 = arith.constant 0 : i32
      %dma_wait3A_48 = tpu.memref_slice %arg2[%dma_wait3A_46, %dma_wait3A_47] : memref<10000x128xf32, #tpu.memory_space<hbm>> -> memref<10000x128xf32, #tpu.memory_space<hbm>>
      tpu.wait_indirect_dma semaphore(%arg10 : memref<!tpu.dma_semaphore, #tpu.memory_space<semaphore_mem>>) src(%dma_wait3A_48 : memref<10000x128xf32, #tpu.memory_space<hbm>>) dst(%arg9 : memref<128x128xf32, #tpu.memory_space<vmem>>)
      "tpu.region"() ({
        %run_scoped3A = tpu.sem_alloc : memref<!tpu.dma_semaphore, #tpu.memory_space<semaphore_mem>>
        %dma_start3A_49 = arith.constant 0 : i32
        %dma_start3A_50 = tpu.memref_slice %arg8[%while3A_38, %dma_start3A_49] : memref<56x128xi32, #tpu.memory_space<vmem>> -> memref<1x128xi32, #tpu.memory_space<vmem>>
        %dma_start3A_51 = tpu.memref_squeeze %dma_start3A_50 : memref<1x128xi32, #tpu.memory_space<vmem>> -> memref<128xi32, #tpu.memory_space<vmem>>
        %dma_start3A_52 = arith.constant 0 : i32
        %dma_start3A_53 = arith.constant 0 : i32
        %dma_start3A_54 = tpu.memref_slice %arg11[%dma_start3A_52, %dma_start3A_53] : memref<10112x128xf32, #tpu.memory_space<vmem_shared>> -> memref<10112x128xf32, #tpu.memory_space<vmem_shared>>
        tpu.enqueue_indirect_dma source(%arg9 : memref<128x128xf32, #tpu.memory_space<vmem>>) target(%dma_start3A_54 : memref<10112x128xf32, #tpu.memory_space<vmem_shared>>) offsets(%dma_start3A_51 : memref<128xi32, #tpu.memory_space<vmem>>) semaphore(%run_scoped3A : memref<!tpu.dma_semaphore, #tpu.memory_space<semaphore_mem>>) {add = true}
        %dma_wait3A_55 = arith.constant 0 : i32
        %dma_wait3A_56 = tpu.memref_slice %arg8[%while3A_38, %dma_wait3A_55] : memref<56x128xi32, #tpu.memory_space<vmem>> -> memref<1x128xi32, #tpu.memory_space<vmem>>
        %dma_wait3A_57 = tpu.memref_squeeze %dma_wait3A_56 : memref<1x128xi32, #tpu.memory_space<vmem>> -> memref<128xi32, #tpu.memory_space<vmem>>
        %dma_wait3A_58 = arith.constant 0 : i32
        %dma_wait3A_59 = arith.constant 0 : i32
        %dma_wait3A_60 = tpu.memref_slice %arg11[%dma_wait3A_58, %dma_wait3A_59] : memref<10112x128xf32, #tpu.memory_space<vmem_shared>> -> memref<10112x128xf32, #tpu.memory_space<vmem_shared>>
        tpu.wait_indirect_dma semaphore(%run_scoped3A : memref<!tpu.dma_semaphore, #tpu.memory_space<semaphore_mem>>) src(%arg9 : memref<128x128xf32, #tpu.memory_space<vmem>>) dst(%dma_wait3A_60 : memref<10112x128xf32, #tpu.memory_space<vmem_shared>>)
        tpu.yield
      }) : () -> ()
    }
    %while3A_32 = arith.constant 1 : i32
    scf.for %while3A_38 = %while3A_30 to %while3A_26 step %while3A_32  : i32 {
      %dma_start3A = arith.constant 0 : i32
      %dma_start3A_39 = tpu.memref_slice %arg7[%while3A_38, %dma_start3A] : memref<56x128xi32, #tpu.memory_space<vmem>> -> memref<1x128xi32, #tpu.memory_space<vmem>>
      %dma_start3A_40 = tpu.memref_squeeze %dma_start3A_39 : memref<1x128xi32, #tpu.memory_space<vmem>> -> memref<128xi32, #tpu.memory_space<vmem>>
      %dma_start3A_41 = arith.constant 0 : i32
      %dma_start3A_42 = arith.constant 0 : i32
      %dma_start3A_43 = tpu.memref_slice %arg2[%dma_start3A_41, %dma_start3A_42] : memref<10000x128xf32, #tpu.memory_space<hbm>> -> memref<10000x128xf32, #tpu.memory_space<hbm>>
      tpu.enqueue_indirect_dma source(%dma_start3A_43 : memref<10000x128xf32, #tpu.memory_space<hbm>>) target(%arg9 : memref<128x128xf32, #tpu.memory_space<vmem>>) offsets(%dma_start3A_40 : memref<128xi32, #tpu.memory_space<vmem>>) semaphore(%arg10 : memref<!tpu.dma_semaphore, #tpu.memory_space<semaphore_mem>>)
      %dma_wait3A = arith.constant 0 : i32
      %dma_wait3A_44 = tpu.memref_slice %arg7[%while3A_38, %dma_wait3A] : memref<56x128xi32, #tpu.memory_space<vmem>> -> memref<1x128xi32, #tpu.memory_space<vmem>>
      %dma_wait3A_45 = tpu.memref_squeeze %dma_wait3A_44 : memref<1x128xi32, #tpu.memory_space<vmem>> -> memref<128xi32, #tpu.memory_space<vmem>>
      %dma_wait3A_46 = arith.constant 0 : i32
      %dma_wait3A_47 = arith.constant 0 : i32
      %dma_wait3A_48 = tpu.memref_slice %arg2[%dma_wait3A_46, %dma_wait3A_47] : memref<10000x128xf32, #tpu.memory_space<hbm>> -> memref<10000x128xf32, #tpu.memory_space<hbm>>
      tpu.wait_indirect_dma semaphore(%arg10 : memref<!tpu.dma_semaphore, #tpu.memory_space<semaphore_mem>>) src(%dma_wait3A_48 : memref<10000x128xf32, #tpu.memory_space<hbm>>) dst(%arg9 : memref<128x128xf32, #tpu.memory_space<vmem>>)
      "tpu.region"() ({
        %run_scoped3A = tpu.sem_alloc : memref<!tpu.dma_semaphore, #tpu.memory_space<semaphore_mem>>
        %dma_start3A_49 = arith.constant 0 : i32
        %dma_start3A_50 = tpu.memref_slice %arg8[%while3A_38, %dma_start3A_49] : memref<56x128xi32, #tpu.memory_space<vmem>> -> memref<1x128xi32, #tpu.memory_space<vmem>>
        %dma_start3A_51 = tpu.memref_squeeze %dma_start3A_50 : memref<1x128xi32, #tpu.memory_space<vmem>> -> memref<128xi32, #tpu.memory_space<vmem>>
        %dma_start3A_52 = arith.constant 0 : i32
        %dma_start3A_53 = arith.constant 0 : i32
        %dma_start3A_54 = tpu.memref_slice %arg11[%dma_start3A_52, %dma_start3A_53] : memref<10112x128xf32, #tpu.memory_space<vmem_shared>> -> memref<10112x128xf32, #tpu.memory_space<vmem_shared>>
        tpu.enqueue_indirect_dma source(%arg9 : memref<128x128xf32, #tpu.memory_space<vmem>>) target(%dma_start3A_54 : memref<10112x128xf32, #tpu.memory_space<vmem_shared>>) offsets(%dma_start3A_51 : memref<128xi32, #tpu.memory_space<vmem>>) semaphore(%run_scoped3A : memref<!tpu.dma_semaphore, #tpu.memory_space<semaphore_mem>>) {add = true}
        %dma_wait3A_55 = arith.constant 0 : i32
        %dma_wait3A_56 = tpu.memref_slice %arg8[%while3A_38, %dma_wait3A_55] : memref<56x128xi32, #tpu.memory_space<vmem>> -> memref<1x128xi32, #tpu.memory_space<vmem>>
        %dma_wait3A_57 = tpu.memref_squeeze %dma_wait3A_56 : memref<1x128xi32, #tpu.memory_space<vmem>> -> memref<128xi32, #tpu.memory_space<vmem>>
        %dma_wait3A_58 = arith.constant 0 : i32
        %dma_wait3A_59 = arith.constant 0 : i32
        %dma_wait3A_60 = tpu.memref_slice %arg11[%dma_wait3A_58, %dma_wait3A_59] : memref<10112x128xf32, #tpu.memory_space<vmem_shared>> -> memref<10112x128xf32, #tpu.memory_space<vmem_shared>>
        tpu.wait_indirect_dma semaphore(%run_scoped3A : memref<!tpu.dma_semaphore, #tpu.memory_space<semaphore_mem>>) src(%arg9 : memref<128x128xf32, #tpu.memory_space<vmem>>) dst(%dma_wait3A_60 : memref<10112x128xf32, #tpu.memory_space<vmem_shared>>)
        tpu.yield
      }) : () -> ()
    }
    %barrier3A_33 = arith.constant 0 : index
    tpu.barrier barrier_id(%barrier3A_33)
    %mul3A_34 = arith.constant 632 : i32
    %mul3A_35 = arith.muli %arg1, %mul3A_34 : i32
    %mul3A_36 = arith.constant 632 : i32
    %mul3A_37 = arith.muli %arg1, %mul3A_36 : i32
    "tpu.region"() ({
      %run_scoped3A = tpu.sem_alloc : memref<!tpu.dma_semaphore, #tpu.memory_space<semaphore_mem>>
      %dma_start3A = arith.constant 0 : i32
      %dma_start3A_38 = tpu.memref_slice %arg6[%arg0, %mul3A_37, %dma_start3A] : memref<2x10112x128xf32, #tpu.memory_space<hbm>> -> memref<1x632x128xf32, #tpu.memory_space<hbm>>
      %dma_start3A_39 = tpu.memref_squeeze %dma_start3A_38 : memref<1x632x128xf32, #tpu.memory_space<hbm>> -> memref<632x128xf32, #tpu.memory_space<hbm>>
      %dma_start3A_40 = arith.constant 0 : i32
      %dma_start3A_41 = tpu.memref_slice %arg11[%mul3A_35, %dma_start3A_40] : memref<10112x128xf32, #tpu.memory_space<vmem_shared>> -> memref<632x128xf32, #tpu.memory_space<vmem_shared>>
      tpu.enqueue_dma source(%dma_start3A_41 : memref<632x128xf32, #tpu.memory_space<vmem_shared>>) target(%dma_start3A_39 : memref<632x128xf32, #tpu.memory_space<hbm>>) target_semaphore(%run_scoped3A : memref<!tpu.dma_semaphore, #tpu.memory_space<semaphore_mem>>)
      %dma_wait3A = arith.constant 0 : i32
      %dma_wait3A_42 = tpu.memref_slice %arg6[%arg0, %mul3A_37, %dma_wait3A] : memref<2x10112x128xf32, #tpu.memory_space<hbm>> -> memref<1x632x128xf32, #tpu.memory_space<hbm>>
      %dma_wait3A_43 = tpu.memref_squeeze %dma_wait3A_42 : memref<1x632x128xf32, #tpu.memory_space<hbm>> -> memref<632x128xf32, #tpu.memory_space<hbm>>
      %dma_wait3A_44 = arith.constant 0 : i32
      %dma_wait3A_45 = tpu.memref_slice %arg11[%mul3A_35, %dma_wait3A_44] : memref<10112x128xf32, #tpu.memory_space<vmem_shared>> -> memref<632x128xf32, #tpu.memory_space<vmem_shared>>
      tpu.wait_dma2 semaphore(%run_scoped3A : memref<!tpu.dma_semaphore, #tpu.memory_space<semaphore_mem>>) src(%dma_wait3A_45 : memref<632x128xf32, #tpu.memory_space<vmem_shared>>) dst(%dma_wait3A_43 : memref<632x128xf32, #tpu.memory_space<hbm>>)
      tpu.yield
    }) : () -> ()
    return
  }
}

#map = affine_map<(d0, d1) -> (0, 0)>
#map1 = affine_map<(d0, d1) -> (0, 0, 0)>
module attributes {stable_mosaic.version = 14 : i64} {
  func.func @_prop_body(%arg0: i32, %arg1: i32, %arg2: memref<10000x128xf32, #tpu.memory_space<hbm>>, %arg3: memref<2560x128xi32, #tpu.memory_space<hbm>>, %arg4: memref<2560x128xi32, #tpu.memory_space<hbm>>, %arg5: memref<632x128xf32, #tpu.memory_space<hbm>>, %arg6: memref<2x10112x128xf32, #tpu.memory_space<hbm>>, %arg7: memref<56x128xi32, #tpu.memory_space<vmem>>, %arg8: memref<56x128xi32, #tpu.memory_space<vmem>>, %arg9: memref<128x128xf32, #tpu.memory_space<vmem>>, %arg10: memref<!tpu.dma_semaphore, #tpu.memory_space<semaphore_mem>>, %arg11: memref<10112x128xf32, #tpu.memory_space<vmem_shared>>) attributes {dimension_semantics = [#tpu.dimension_semantics<core_parallel>, #tpu.dimension_semantics<subcore_parallel>], iteration_bounds = array<i64: 2, 16>, scalar_prefetch = 0 : i64, scratch_operands = 5 : i64, tpu.core_type = #tpu.core_type<sc_vector_subcore>, window_params = [{transform_indices = #map}, {transform_indices = #map}, {transform_indices = #map}, {transform_indices = #map}, {transform_indices = #map1}]} {
    %eq3A = arith.constant 0 : i32
    %eq3A_0 = arith.cmpi eq, %arg0, %eq3A : i32
    %mul3A = arith.constant 104 : i32
    %mul3A_1 = arith.muli %arg1, %mul3A : i32
    %add3A = arith.constant 896 : i32
    %add3A_2 = arith.addi %add3A, %mul3A_1 : i32
    %mul3A_3 = arith.constant 56 : i32
    %mul3A_4 = arith.muli %arg1, %mul3A_3 : i32
    %select_n3A = arith.select %eq3A_0, %add3A_2, %mul3A_4 : i32
    %mul3A_5 = arith.constant 632 : i32
    %mul3A_6 = arith.muli %arg1, %mul3A_5 : i32
    "tpu.region"() ({
      %run_scoped3A = tpu.sem_alloc : memref<!tpu.dma_semaphore, #tpu.memory_space<semaphore_mem>>
      %dma_start3A = arith.constant 0 : i32
      %dma_start3A_38 = tpu.memref_slice %arg11[%mul3A_6, %dma_start3A] : memref<10112x128xf32, #tpu.memory_space<vmem_shared>> -> memref<632x128xf32, #tpu.memory_space<vmem_shared>>
      tpu.enqueue_dma source(%arg5 : memref<632x128xf32, #tpu.memory_space<hbm>>) target(%dma_start3A_38 : memref<632x128xf32, #tpu.memory_space<vmem_shared>>) target_semaphore(%run_scoped3A : memref<!tpu.dma_semaphore, #tpu.memory_space<semaphore_mem>>)
      %dma_wait3A = arith.constant 0 : i32
      %dma_wait3A_39 = tpu.memref_slice %arg11[%mul3A_6, %dma_wait3A] : memref<10112x128xf32, #tpu.memory_space<vmem_shared>> -> memref<632x128xf32, #tpu.memory_space<vmem_shared>>
      tpu.wait_dma2 semaphore(%run_scoped3A : memref<!tpu.dma_semaphore, #tpu.memory_space<semaphore_mem>>) src(%arg5 : memref<632x128xf32, #tpu.memory_space<hbm>>) dst(%dma_wait3A_39 : memref<632x128xf32, #tpu.memory_space<vmem_shared>>)
      tpu.yield
    }) : () -> ()
    %barrier3A = arith.constant 0 : index
    tpu.barrier barrier_id(%barrier3A)
    %add3A_7 = arith.constant 0 : i32
    %add3A_8 = arith.addi %select_n3A, %add3A_7 : i32
    "tpu.region"() ({
      %run_scoped3A = tpu.sem_alloc : memref<!tpu.dma_semaphore, #tpu.memory_space<semaphore_mem>>
      %dma_start3A = arith.constant 0 : i32
      %dma_start3A_38 = arith.constant 0 : i32
      %dma_start3A_39 = tpu.memref_slice %arg7[%dma_start3A, %dma_start3A_38] : memref<56x128xi32, #tpu.memory_space<vmem>> -> memref<56x128xi32, #tpu.memory_space<vmem>>
      %dma_start3A_40 = arith.constant 0 : i32
      %dma_start3A_41 = tpu.memref_slice %arg3[%add3A_8, %dma_start3A_40] : memref<2560x128xi32, #tpu.memory_space<hbm>> -> memref<56x128xi32, #tpu.memory_space<hbm>>
      %dma_start3A_42 = arith.constant 0 : i32
      %dma_start3A_43 = arith.constant 0 : i32
      %dma_start3A_44 = tpu.memref_slice %arg7[%dma_start3A_42, %dma_start3A_43] : memref<56x128xi32, #tpu.memory_space<vmem>> -> memref<56x128xi32, #tpu.memory_space<vmem>>
      %dma_start3A_45 = arith.constant 0 : i32
      %dma_start3A_46 = tpu.memref_slice %arg3[%add3A_8, %dma_start3A_45] : memref<2560x128xi32, #tpu.memory_space<hbm>> -> memref<56x128xi32, #tpu.memory_space<hbm>>
      tpu.enqueue_dma source(%dma_start3A_46 : memref<56x128xi32, #tpu.memory_space<hbm>>) target(%dma_start3A_44 : memref<56x128xi32, #tpu.memory_space<vmem>>) target_semaphore(%run_scoped3A : memref<!tpu.dma_semaphore, #tpu.memory_space<semaphore_mem>>)
      %dma_wait3A = arith.constant 0 : i32
      %dma_wait3A_47 = arith.constant 0 : i32
      %dma_wait3A_48 = tpu.memref_slice %arg7[%dma_wait3A, %dma_wait3A_47] : memref<56x128xi32, #tpu.memory_space<vmem>> -> memref<56x128xi32, #tpu.memory_space<vmem>>
      %dma_wait3A_49 = arith.constant 0 : i32
      %dma_wait3A_50 = tpu.memref_slice %arg3[%add3A_8, %dma_wait3A_49] : memref<2560x128xi32, #tpu.memory_space<hbm>> -> memref<56x128xi32, #tpu.memory_space<hbm>>
      %dma_wait3A_51 = arith.constant 0 : i32
      %dma_wait3A_52 = arith.constant 0 : i32
      %dma_wait3A_53 = tpu.memref_slice %arg7[%dma_wait3A_51, %dma_wait3A_52] : memref<56x128xi32, #tpu.memory_space<vmem>> -> memref<56x128xi32, #tpu.memory_space<vmem>>
      %dma_wait3A_54 = arith.constant 0 : i32
      %dma_wait3A_55 = tpu.memref_slice %arg3[%add3A_8, %dma_wait3A_54] : memref<2560x128xi32, #tpu.memory_space<hbm>> -> memref<56x128xi32, #tpu.memory_space<hbm>>
      tpu.wait_dma2 semaphore(%run_scoped3A : memref<!tpu.dma_semaphore, #tpu.memory_space<semaphore_mem>>) src(%dma_wait3A_55 : memref<56x128xi32, #tpu.memory_space<hbm>>) dst(%dma_wait3A_53 : memref<56x128xi32, #tpu.memory_space<vmem>>)
      tpu.yield
    }) : () -> ()
    %add3A_9 = arith.constant 0 : i32
    %add3A_10 = arith.addi %select_n3A, %add3A_9 : i32
    "tpu.region"() ({
      %run_scoped3A = tpu.sem_alloc : memref<!tpu.dma_semaphore, #tpu.memory_space<semaphore_mem>>
      %dma_start3A = arith.constant 0 : i32
      %dma_start3A_38 = arith.constant 0 : i32
      %dma_start3A_39 = tpu.memref_slice %arg8[%dma_start3A, %dma_start3A_38] : memref<56x128xi32, #tpu.memory_space<vmem>> -> memref<56x128xi32, #tpu.memory_space<vmem>>
      %dma_start3A_40 = arith.constant 0 : i32
      %dma_start3A_41 = tpu.memref_slice %arg4[%add3A_10, %dma_start3A_40] : memref<2560x128xi32, #tpu.memory_space<hbm>> -> memref<56x128xi32, #tpu.memory_space<hbm>>
      %dma_start3A_42 = arith.constant 0 : i32
      %dma_start3A_43 = arith.constant 0 : i32
      %dma_start3A_44 = tpu.memref_slice %arg8[%dma_start3A_42, %dma_start3A_43] : memref<56x128xi32, #tpu.memory_space<vmem>> -> memref<56x128xi32, #tpu.memory_space<vmem>>
      %dma_start3A_45 = arith.constant 0 : i32
      %dma_start3A_46 = tpu.memref_slice %arg4[%add3A_10, %dma_start3A_45] : memref<2560x128xi32, #tpu.memory_space<hbm>> -> memref<56x128xi32, #tpu.memory_space<hbm>>
      tpu.enqueue_dma source(%dma_start3A_46 : memref<56x128xi32, #tpu.memory_space<hbm>>) target(%dma_start3A_44 : memref<56x128xi32, #tpu.memory_space<vmem>>) target_semaphore(%run_scoped3A : memref<!tpu.dma_semaphore, #tpu.memory_space<semaphore_mem>>)
      %dma_wait3A = arith.constant 0 : i32
      %dma_wait3A_47 = arith.constant 0 : i32
      %dma_wait3A_48 = tpu.memref_slice %arg8[%dma_wait3A, %dma_wait3A_47] : memref<56x128xi32, #tpu.memory_space<vmem>> -> memref<56x128xi32, #tpu.memory_space<vmem>>
      %dma_wait3A_49 = arith.constant 0 : i32
      %dma_wait3A_50 = tpu.memref_slice %arg4[%add3A_10, %dma_wait3A_49] : memref<2560x128xi32, #tpu.memory_space<hbm>> -> memref<56x128xi32, #tpu.memory_space<hbm>>
      %dma_wait3A_51 = arith.constant 0 : i32
      %dma_wait3A_52 = arith.constant 0 : i32
      %dma_wait3A_53 = tpu.memref_slice %arg8[%dma_wait3A_51, %dma_wait3A_52] : memref<56x128xi32, #tpu.memory_space<vmem>> -> memref<56x128xi32, #tpu.memory_space<vmem>>
      %dma_wait3A_54 = arith.constant 0 : i32
      %dma_wait3A_55 = tpu.memref_slice %arg4[%add3A_10, %dma_wait3A_54] : memref<2560x128xi32, #tpu.memory_space<hbm>> -> memref<56x128xi32, #tpu.memory_space<hbm>>
      tpu.wait_dma2 semaphore(%run_scoped3A : memref<!tpu.dma_semaphore, #tpu.memory_space<semaphore_mem>>) src(%dma_wait3A_55 : memref<56x128xi32, #tpu.memory_space<hbm>>) dst(%dma_wait3A_53 : memref<56x128xi32, #tpu.memory_space<vmem>>)
      tpu.yield
    }) : () -> ()
    %scan3A = arith.constant 0 : i32
    %scan3A_11 = arith.constant 0 : i32
    %scan3A_12 = arith.constant 56 : i32
    %scan3A_13 = arith.addi %scan3A_11, %scan3A_12 : i32
    %scan3A_14 = arith.constant 1 : i32
    scf.for %scan3A_38 = %scan3A_11 to %scan3A_13 step %scan3A_14  : i32 {
      %dma_start3A = arith.constant 0 : i32
      %dma_start3A_39 = tpu.memref_slice %arg7[%scan3A_38, %dma_start3A] : memref<56x128xi32, #tpu.memory_space<vmem>> -> memref<1x128xi32, #tpu.memory_space<vmem>>
      %dma_start3A_40 = tpu.memref_squeeze %dma_start3A_39 : memref<1x128xi32, #tpu.memory_space<vmem>> -> memref<128xi32, #tpu.memory_space<vmem>>
      %dma_start3A_41 = arith.constant 0 : i32
      %dma_start3A_42 = arith.constant 0 : i32
      %dma_start3A_43 = tpu.memref_slice %arg2[%dma_start3A_41, %dma_start3A_42] : memref<10000x128xf32, #tpu.memory_space<hbm>> -> memref<10000x128xf32, #tpu.memory_space<hbm>>
      tpu.enqueue_indirect_dma source(%dma_start3A_43 : memref<10000x128xf32, #tpu.memory_space<hbm>>) target(%arg9 : memref<128x128xf32, #tpu.memory_space<vmem>>) offsets(%dma_start3A_40 : memref<128xi32, #tpu.memory_space<vmem>>) semaphore(%arg10 : memref<!tpu.dma_semaphore, #tpu.memory_space<semaphore_mem>>)
      %dma_wait3A = arith.constant 0 : i32
      %dma_wait3A_44 = tpu.memref_slice %arg7[%scan3A_38, %dma_wait3A] : memref<56x128xi32, #tpu.memory_space<vmem>> -> memref<1x128xi32, #tpu.memory_space<vmem>>
      %dma_wait3A_45 = tpu.memref_squeeze %dma_wait3A_44 : memref<1x128xi32, #tpu.memory_space<vmem>> -> memref<128xi32, #tpu.memory_space<vmem>>
      %dma_wait3A_46 = arith.constant 0 : i32
      %dma_wait3A_47 = arith.constant 0 : i32
      %dma_wait3A_48 = tpu.memref_slice %arg2[%dma_wait3A_46, %dma_wait3A_47] : memref<10000x128xf32, #tpu.memory_space<hbm>> -> memref<10000x128xf32, #tpu.memory_space<hbm>>
      tpu.wait_indirect_dma semaphore(%arg10 : memref<!tpu.dma_semaphore, #tpu.memory_space<semaphore_mem>>) src(%dma_wait3A_48 : memref<10000x128xf32, #tpu.memory_space<hbm>>) dst(%arg9 : memref<128x128xf32, #tpu.memory_space<vmem>>)
      "tpu.region"() ({
        %run_scoped3A = tpu.sem_alloc : memref<!tpu.dma_semaphore, #tpu.memory_space<semaphore_mem>>
        %dma_start3A_49 = arith.constant 0 : i32
        %dma_start3A_50 = tpu.memref_slice %arg8[%scan3A_38, %dma_start3A_49] : memref<56x128xi32, #tpu.memory_space<vmem>> -> memref<1x128xi32, #tpu.memory_space<vmem>>
        %dma_start3A_51 = tpu.memref_squeeze %dma_start3A_50 : memref<1x128xi32, #tpu.memory_space<vmem>> -> memref<128xi32, #tpu.memory_space<vmem>>
        %dma_start3A_52 = arith.constant 0 : i32
        %dma_start3A_53 = arith.constant 0 : i32
        %dma_start3A_54 = tpu.memref_slice %arg11[%dma_start3A_52, %dma_start3A_53] : memref<10112x128xf32, #tpu.memory_space<vmem_shared>> -> memref<10112x128xf32, #tpu.memory_space<vmem_shared>>
        tpu.enqueue_indirect_dma source(%arg9 : memref<128x128xf32, #tpu.memory_space<vmem>>) target(%dma_start3A_54 : memref<10112x128xf32, #tpu.memory_space<vmem_shared>>) offsets(%dma_start3A_51 : memref<128xi32, #tpu.memory_space<vmem>>) semaphore(%run_scoped3A : memref<!tpu.dma_semaphore, #tpu.memory_space<semaphore_mem>>) {add = true}
        %dma_wait3A_55 = arith.constant 0 : i32
        %dma_wait3A_56 = tpu.memref_slice %arg8[%scan3A_38, %dma_wait3A_55] : memref<56x128xi32, #tpu.memory_space<vmem>> -> memref<1x128xi32, #tpu.memory_space<vmem>>
        %dma_wait3A_57 = tpu.memref_squeeze %dma_wait3A_56 : memref<1x128xi32, #tpu.memory_space<vmem>> -> memref<128xi32, #tpu.memory_space<vmem>>
        %dma_wait3A_58 = arith.constant 0 : i32
        %dma_wait3A_59 = arith.constant 0 : i32
        %dma_wait3A_60 = tpu.memref_slice %arg11[%dma_wait3A_58, %dma_wait3A_59] : memref<10112x128xf32, #tpu.memory_space<vmem_shared>> -> memref<10112x128xf32, #tpu.memory_space<vmem_shared>>
        tpu.wait_indirect_dma semaphore(%run_scoped3A : memref<!tpu.dma_semaphore, #tpu.memory_space<semaphore_mem>>) src(%arg9 : memref<128x128xf32, #tpu.memory_space<vmem>>) dst(%dma_wait3A_60 : memref<10112x128xf32, #tpu.memory_space<vmem_shared>>)
        tpu.yield
      }) : () -> ()
    }
    %scan3A_15 = arith.constant 56 : i32
    %add3A_16 = arith.constant 56 : i32
    %add3A_17 = arith.addi %select_n3A, %add3A_16 : i32
    "tpu.region"() ({
      %run_scoped3A = tpu.sem_alloc : memref<!tpu.dma_semaphore, #tpu.memory_space<semaphore_mem>>
      %dma_start3A = arith.constant 0 : i32
      %dma_start3A_38 = arith.constant 0 : i32
      %dma_start3A_39 = tpu.memref_slice %arg7[%dma_start3A, %dma_start3A_38] : memref<56x128xi32, #tpu.memory_space<vmem>> -> memref<48x128xi32, #tpu.memory_space<vmem>>
      %dma_start3A_40 = arith.constant 0 : i32
      %dma_start3A_41 = tpu.memref_slice %arg3[%add3A_17, %dma_start3A_40] : memref<2560x128xi32, #tpu.memory_space<hbm>> -> memref<48x128xi32, #tpu.memory_space<hbm>>
      %dma_start3A_42 = arith.constant 0 : i32
      %dma_start3A_43 = arith.constant 0 : i32
      %dma_start3A_44 = tpu.memref_slice %arg7[%dma_start3A_42, %dma_start3A_43] : memref<56x128xi32, #tpu.memory_space<vmem>> -> memref<48x128xi32, #tpu.memory_space<vmem>>
      %dma_start3A_45 = arith.constant 0 : i32
      %dma_start3A_46 = tpu.memref_slice %arg3[%add3A_17, %dma_start3A_45] : memref<2560x128xi32, #tpu.memory_space<hbm>> -> memref<48x128xi32, #tpu.memory_space<hbm>>
      tpu.enqueue_dma source(%dma_start3A_46 : memref<48x128xi32, #tpu.memory_space<hbm>>) target(%dma_start3A_44 : memref<48x128xi32, #tpu.memory_space<vmem>>) target_semaphore(%run_scoped3A : memref<!tpu.dma_semaphore, #tpu.memory_space<semaphore_mem>>)
      %dma_wait3A = arith.constant 0 : i32
      %dma_wait3A_47 = arith.constant 0 : i32
      %dma_wait3A_48 = tpu.memref_slice %arg7[%dma_wait3A, %dma_wait3A_47] : memref<56x128xi32, #tpu.memory_space<vmem>> -> memref<48x128xi32, #tpu.memory_space<vmem>>
      %dma_wait3A_49 = arith.constant 0 : i32
      %dma_wait3A_50 = tpu.memref_slice %arg3[%add3A_17, %dma_wait3A_49] : memref<2560x128xi32, #tpu.memory_space<hbm>> -> memref<48x128xi32, #tpu.memory_space<hbm>>
      %dma_wait3A_51 = arith.constant 0 : i32
      %dma_wait3A_52 = arith.constant 0 : i32
      %dma_wait3A_53 = tpu.memref_slice %arg7[%dma_wait3A_51, %dma_wait3A_52] : memref<56x128xi32, #tpu.memory_space<vmem>> -> memref<48x128xi32, #tpu.memory_space<vmem>>
      %dma_wait3A_54 = arith.constant 0 : i32
      %dma_wait3A_55 = tpu.memref_slice %arg3[%add3A_17, %dma_wait3A_54] : memref<2560x128xi32, #tpu.memory_space<hbm>> -> memref<48x128xi32, #tpu.memory_space<hbm>>
      tpu.wait_dma2 semaphore(%run_scoped3A : memref<!tpu.dma_semaphore, #tpu.memory_space<semaphore_mem>>) src(%dma_wait3A_55 : memref<48x128xi32, #tpu.memory_space<hbm>>) dst(%dma_wait3A_53 : memref<48x128xi32, #tpu.memory_space<vmem>>)
      tpu.yield
    }) : () -> ()
    %add3A_18 = arith.constant 56 : i32
    %add3A_19 = arith.addi %select_n3A, %add3A_18 : i32
    "tpu.region"() ({
      %run_scoped3A = tpu.sem_alloc : memref<!tpu.dma_semaphore, #tpu.memory_space<semaphore_mem>>
      %dma_start3A = arith.constant 0 : i32
      %dma_start3A_38 = arith.constant 0 : i32
      %dma_start3A_39 = tpu.memref_slice %arg8[%dma_start3A, %dma_start3A_38] : memref<56x128xi32, #tpu.memory_space<vmem>> -> memref<48x128xi32, #tpu.memory_space<vmem>>
      %dma_start3A_40 = arith.constant 0 : i32
      %dma_start3A_41 = tpu.memref_slice %arg4[%add3A_19, %dma_start3A_40] : memref<2560x128xi32, #tpu.memory_space<hbm>> -> memref<48x128xi32, #tpu.memory_space<hbm>>
      %dma_start3A_42 = arith.constant 0 : i32
      %dma_start3A_43 = arith.constant 0 : i32
      %dma_start3A_44 = tpu.memref_slice %arg8[%dma_start3A_42, %dma_start3A_43] : memref<56x128xi32, #tpu.memory_space<vmem>> -> memref<48x128xi32, #tpu.memory_space<vmem>>
      %dma_start3A_45 = arith.constant 0 : i32
      %dma_start3A_46 = tpu.memref_slice %arg4[%add3A_19, %dma_start3A_45] : memref<2560x128xi32, #tpu.memory_space<hbm>> -> memref<48x128xi32, #tpu.memory_space<hbm>>
      tpu.enqueue_dma source(%dma_start3A_46 : memref<48x128xi32, #tpu.memory_space<hbm>>) target(%dma_start3A_44 : memref<48x128xi32, #tpu.memory_space<vmem>>) target_semaphore(%run_scoped3A : memref<!tpu.dma_semaphore, #tpu.memory_space<semaphore_mem>>)
      %dma_wait3A = arith.constant 0 : i32
      %dma_wait3A_47 = arith.constant 0 : i32
      %dma_wait3A_48 = tpu.memref_slice %arg8[%dma_wait3A, %dma_wait3A_47] : memref<56x128xi32, #tpu.memory_space<vmem>> -> memref<48x128xi32, #tpu.memory_space<vmem>>
      %dma_wait3A_49 = arith.constant 0 : i32
      %dma_wait3A_50 = tpu.memref_slice %arg4[%add3A_19, %dma_wait3A_49] : memref<2560x128xi32, #tpu.memory_space<hbm>> -> memref<48x128xi32, #tpu.memory_space<hbm>>
      %dma_wait3A_51 = arith.constant 0 : i32
      %dma_wait3A_52 = arith.constant 0 : i32
      %dma_wait3A_53 = tpu.memref_slice %arg8[%dma_wait3A_51, %dma_wait3A_52] : memref<56x128xi32, #tpu.memory_space<vmem>> -> memref<48x128xi32, #tpu.memory_space<vmem>>
      %dma_wait3A_54 = arith.constant 0 : i32
      %dma_wait3A_55 = tpu.memref_slice %arg4[%add3A_19, %dma_wait3A_54] : memref<2560x128xi32, #tpu.memory_space<hbm>> -> memref<48x128xi32, #tpu.memory_space<hbm>>
      tpu.wait_dma2 semaphore(%run_scoped3A : memref<!tpu.dma_semaphore, #tpu.memory_space<semaphore_mem>>) src(%dma_wait3A_55 : memref<48x128xi32, #tpu.memory_space<hbm>>) dst(%dma_wait3A_53 : memref<48x128xi32, #tpu.memory_space<vmem>>)
      tpu.yield
    }) : () -> ()
    %eq3A_20 = arith.constant 0 : i32
    %eq3A_21 = arith.cmpi eq, %arg0, %eq3A_20 : i32
    %jit3A = arith.constant 48 : i32
    %jit3A_22 = arith.constant 0 : i32
    %select_n3A_23 = arith.select %eq3A_21, %jit3A, %jit3A_22 : i32
    %while3A = arith.constant 0 : i32
    %while3A_24 = arith.constant 0 : i32
    %while3A_25 = arith.subi %select_n3A_23, %while3A_24 : i32
    %while3A_26 = arith.addi %while3A_24, %while3A_25 : i32
    %while3A_27 = arith.constant 1 : i32
    %while3A_28 = arith.divsi %while3A_25, %while3A_27 : i32
    %while3A_29 = arith.muli %while3A_28, %while3A_27 : i32
    %while3A_30 = arith.addi %while3A_24, %while3A_29 : i32
    %while3A_31 = arith.constant 1 : i32
    scf.for %while3A_38 = %while3A_24 to %while3A_30 step %while3A_31  : i32 {
      %dma_start3A = arith.constant 0 : i32
      %dma_start3A_39 = tpu.memref_slice %arg7[%while3A_38, %dma_start3A] : memref<56x128xi32, #tpu.memory_space<vmem>> -> memref<1x128xi32, #tpu.memory_space<vmem>>
      %dma_start3A_40 = tpu.memref_squeeze %dma_start3A_39 : memref<1x128xi32, #tpu.memory_space<vmem>> -> memref<128xi32, #tpu.memory_space<vmem>>
      %dma_start3A_41 = arith.constant 0 : i32
      %dma_start3A_42 = arith.constant 0 : i32
      %dma_start3A_43 = tpu.memref_slice %arg2[%dma_start3A_41, %dma_start3A_42] : memref<10000x128xf32, #tpu.memory_space<hbm>> -> memref<10000x128xf32, #tpu.memory_space<hbm>>
      tpu.enqueue_indirect_dma source(%dma_start3A_43 : memref<10000x128xf32, #tpu.memory_space<hbm>>) target(%arg9 : memref<128x128xf32, #tpu.memory_space<vmem>>) offsets(%dma_start3A_40 : memref<128xi32, #tpu.memory_space<vmem>>) semaphore(%arg10 : memref<!tpu.dma_semaphore, #tpu.memory_space<semaphore_mem>>)
      %dma_wait3A = arith.constant 0 : i32
      %dma_wait3A_44 = tpu.memref_slice %arg7[%while3A_38, %dma_wait3A] : memref<56x128xi32, #tpu.memory_space<vmem>> -> memref<1x128xi32, #tpu.memory_space<vmem>>
      %dma_wait3A_45 = tpu.memref_squeeze %dma_wait3A_44 : memref<1x128xi32, #tpu.memory_space<vmem>> -> memref<128xi32, #tpu.memory_space<vmem>>
      %dma_wait3A_46 = arith.constant 0 : i32
      %dma_wait3A_47 = arith.constant 0 : i32
      %dma_wait3A_48 = tpu.memref_slice %arg2[%dma_wait3A_46, %dma_wait3A_47] : memref<10000x128xf32, #tpu.memory_space<hbm>> -> memref<10000x128xf32, #tpu.memory_space<hbm>>
      tpu.wait_indirect_dma semaphore(%arg10 : memref<!tpu.dma_semaphore, #tpu.memory_space<semaphore_mem>>) src(%dma_wait3A_48 : memref<10000x128xf32, #tpu.memory_space<hbm>>) dst(%arg9 : memref<128x128xf32, #tpu.memory_space<vmem>>)
      "tpu.region"() ({
        %run_scoped3A = tpu.sem_alloc : memref<!tpu.dma_semaphore, #tpu.memory_space<semaphore_mem>>
        %dma_start3A_49 = arith.constant 0 : i32
        %dma_start3A_50 = tpu.memref_slice %arg8[%while3A_38, %dma_start3A_49] : memref<56x128xi32, #tpu.memory_space<vmem>> -> memref<1x128xi32, #tpu.memory_space<vmem>>
        %dma_start3A_51 = tpu.memref_squeeze %dma_start3A_50 : memref<1x128xi32, #tpu.memory_space<vmem>> -> memref<128xi32, #tpu.memory_space<vmem>>
        %dma_start3A_52 = arith.constant 0 : i32
        %dma_start3A_53 = arith.constant 0 : i32
        %dma_start3A_54 = tpu.memref_slice %arg11[%dma_start3A_52, %dma_start3A_53] : memref<10112x128xf32, #tpu.memory_space<vmem_shared>> -> memref<10112x128xf32, #tpu.memory_space<vmem_shared>>
        tpu.enqueue_indirect_dma source(%arg9 : memref<128x128xf32, #tpu.memory_space<vmem>>) target(%dma_start3A_54 : memref<10112x128xf32, #tpu.memory_space<vmem_shared>>) offsets(%dma_start3A_51 : memref<128xi32, #tpu.memory_space<vmem>>) semaphore(%run_scoped3A : memref<!tpu.dma_semaphore, #tpu.memory_space<semaphore_mem>>) {add = true}
        %dma_wait3A_55 = arith.constant 0 : i32
        %dma_wait3A_56 = tpu.memref_slice %arg8[%while3A_38, %dma_wait3A_55] : memref<56x128xi32, #tpu.memory_space<vmem>> -> memref<1x128xi32, #tpu.memory_space<vmem>>
        %dma_wait3A_57 = tpu.memref_squeeze %dma_wait3A_56 : memref<1x128xi32, #tpu.memory_space<vmem>> -> memref<128xi32, #tpu.memory_space<vmem>>
        %dma_wait3A_58 = arith.constant 0 : i32
        %dma_wait3A_59 = arith.constant 0 : i32
        %dma_wait3A_60 = tpu.memref_slice %arg11[%dma_wait3A_58, %dma_wait3A_59] : memref<10112x128xf32, #tpu.memory_space<vmem_shared>> -> memref<10112x128xf32, #tpu.memory_space<vmem_shared>>
        tpu.wait_indirect_dma semaphore(%run_scoped3A : memref<!tpu.dma_semaphore, #tpu.memory_space<semaphore_mem>>) src(%arg9 : memref<128x128xf32, #tpu.memory_space<vmem>>) dst(%dma_wait3A_60 : memref<10112x128xf32, #tpu.memory_space<vmem_shared>>)
        tpu.yield
      }) : () -> ()
    }
    %while3A_32 = arith.constant 1 : i32
    scf.for %while3A_38 = %while3A_30 to %while3A_26 step %while3A_32  : i32 {
      %dma_start3A = arith.constant 0 : i32
      %dma_start3A_39 = tpu.memref_slice %arg7[%while3A_38, %dma_start3A] : memref<56x128xi32, #tpu.memory_space<vmem>> -> memref<1x128xi32, #tpu.memory_space<vmem>>
      %dma_start3A_40 = tpu.memref_squeeze %dma_start3A_39 : memref<1x128xi32, #tpu.memory_space<vmem>> -> memref<128xi32, #tpu.memory_space<vmem>>
      %dma_start3A_41 = arith.constant 0 : i32
      %dma_start3A_42 = arith.constant 0 : i32
      %dma_start3A_43 = tpu.memref_slice %arg2[%dma_start3A_41, %dma_start3A_42] : memref<10000x128xf32, #tpu.memory_space<hbm>> -> memref<10000x128xf32, #tpu.memory_space<hbm>>
      tpu.enqueue_indirect_dma source(%dma_start3A_43 : memref<10000x128xf32, #tpu.memory_space<hbm>>) target(%arg9 : memref<128x128xf32, #tpu.memory_space<vmem>>) offsets(%dma_start3A_40 : memref<128xi32, #tpu.memory_space<vmem>>) semaphore(%arg10 : memref<!tpu.dma_semaphore, #tpu.memory_space<semaphore_mem>>)
      %dma_wait3A = arith.constant 0 : i32
      %dma_wait3A_44 = tpu.memref_slice %arg7[%while3A_38, %dma_wait3A] : memref<56x128xi32, #tpu.memory_space<vmem>> -> memref<1x128xi32, #tpu.memory_space<vmem>>
      %dma_wait3A_45 = tpu.memref_squeeze %dma_wait3A_44 : memref<1x128xi32, #tpu.memory_space<vmem>> -> memref<128xi32, #tpu.memory_space<vmem>>
      %dma_wait3A_46 = arith.constant 0 : i32
      %dma_wait3A_47 = arith.constant 0 : i32
      %dma_wait3A_48 = tpu.memref_slice %arg2[%dma_wait3A_46, %dma_wait3A_47] : memref<10000x128xf32, #tpu.memory_space<hbm>> -> memref<10000x128xf32, #tpu.memory_space<hbm>>
      tpu.wait_indirect_dma semaphore(%arg10 : memref<!tpu.dma_semaphore, #tpu.memory_space<semaphore_mem>>) src(%dma_wait3A_48 : memref<10000x128xf32, #tpu.memory_space<hbm>>) dst(%arg9 : memref<128x128xf32, #tpu.memory_space<vmem>>)
      "tpu.region"() ({
        %run_scoped3A = tpu.sem_alloc : memref<!tpu.dma_semaphore, #tpu.memory_space<semaphore_mem>>
        %dma_start3A_49 = arith.constant 0 : i32
        %dma_start3A_50 = tpu.memref_slice %arg8[%while3A_38, %dma_start3A_49] : memref<56x128xi32, #tpu.memory_space<vmem>> -> memref<1x128xi32, #tpu.memory_space<vmem>>
        %dma_start3A_51 = tpu.memref_squeeze %dma_start3A_50 : memref<1x128xi32, #tpu.memory_space<vmem>> -> memref<128xi32, #tpu.memory_space<vmem>>
        %dma_start3A_52 = arith.constant 0 : i32
        %dma_start3A_53 = arith.constant 0 : i32
        %dma_start3A_54 = tpu.memref_slice %arg11[%dma_start3A_52, %dma_start3A_53] : memref<10112x128xf32, #tpu.memory_space<vmem_shared>> -> memref<10112x128xf32, #tpu.memory_space<vmem_shared>>
        tpu.enqueue_indirect_dma source(%arg9 : memref<128x128xf32, #tpu.memory_space<vmem>>) target(%dma_start3A_54 : memref<10112x128xf32, #tpu.memory_space<vmem_shared>>) offsets(%dma_start3A_51 : memref<128xi32, #tpu.memory_space<vmem>>) semaphore(%run_scoped3A : memref<!tpu.dma_semaphore, #tpu.memory_space<semaphore_mem>>) {add = true}
        %dma_wait3A_55 = arith.constant 0 : i32
        %dma_wait3A_56 = tpu.memref_slice %arg8[%while3A_38, %dma_wait3A_55] : memref<56x128xi32, #tpu.memory_space<vmem>> -> memref<1x128xi32, #tpu.memory_space<vmem>>
        %dma_wait3A_57 = tpu.memref_squeeze %dma_wait3A_56 : memref<1x128xi32, #tpu.memory_space<vmem>> -> memref<128xi32, #tpu.memory_space<vmem>>
        %dma_wait3A_58 = arith.constant 0 : i32
        %dma_wait3A_59 = arith.constant 0 : i32
        %dma_wait3A_60 = tpu.memref_slice %arg11[%dma_wait3A_58, %dma_wait3A_59] : memref<10112x128xf32, #tpu.memory_space<vmem_shared>> -> memref<10112x128xf32, #tpu.memory_space<vmem_shared>>
        tpu.wait_indirect_dma semaphore(%run_scoped3A : memref<!tpu.dma_semaphore, #tpu.memory_space<semaphore_mem>>) src(%arg9 : memref<128x128xf32, #tpu.memory_space<vmem>>) dst(%dma_wait3A_60 : memref<10112x128xf32, #tpu.memory_space<vmem_shared>>)
        tpu.yield
      }) : () -> ()
    }
    %barrier3A_33 = arith.constant 0 : index
    tpu.barrier barrier_id(%barrier3A_33)
    %mul3A_34 = arith.constant 632 : i32
    %mul3A_35 = arith.muli %arg1, %mul3A_34 : i32
    %mul3A_36 = arith.constant 632 : i32
    %mul3A_37 = arith.muli %arg1, %mul3A_36 : i32
    "tpu.region"() ({
      %run_scoped3A = tpu.sem_alloc : memref<!tpu.dma_semaphore, #tpu.memory_space<semaphore_mem>>
      %dma_start3A = arith.constant 0 : i32
      %dma_start3A_38 = tpu.memref_slice %arg6[%arg0, %mul3A_37, %dma_start3A] : memref<2x10112x128xf32, #tpu.memory_space<hbm>> -> memref<1x632x128xf32, #tpu.memory_space<hbm>>
      %dma_start3A_39 = tpu.memref_squeeze %dma_start3A_38 : memref<1x632x128xf32, #tpu.memory_space<hbm>> -> memref<632x128xf32, #tpu.memory_space<hbm>>
      %dma_start3A_40 = arith.constant 0 : i32
      %dma_start3A_41 = tpu.memref_slice %arg11[%mul3A_35, %dma_start3A_40] : memref<10112x128xf32, #tpu.memory_space<vmem_shared>> -> memref<632x128xf32, #tpu.memory_space<vmem_shared>>
      tpu.enqueue_dma source(%dma_start3A_41 : memref<632x128xf32, #tpu.memory_space<vmem_shared>>) target(%dma_start3A_39 : memref<632x128xf32, #tpu.memory_space<hbm>>) target_semaphore(%run_scoped3A : memref<!tpu.dma_semaphore, #tpu.memory_space<semaphore_mem>>)
      %dma_wait3A = arith.constant 0 : i32
      %dma_wait3A_42 = tpu.memref_slice %arg6[%arg0, %mul3A_37, %dma_wait3A] : memref<2x10112x128xf32, #tpu.memory_space<hbm>> -> memref<1x632x128xf32, #tpu.memory_space<hbm>>
      %dma_wait3A_43 = tpu.memref_squeeze %dma_wait3A_42 : memref<1x632x128xf32, #tpu.memory_space<hbm>> -> memref<632x128xf32, #tpu.memory_space<hbm>>
      %dma_wait3A_44 = arith.constant 0 : i32
      %dma_wait3A_45 = tpu.memref_slice %arg11[%mul3A_35, %dma_wait3A_44] : memref<10112x128xf32, #tpu.memory_space<vmem_shared>> -> memref<632x128xf32, #tpu.memory_space<vmem_shared>>
      tpu.wait_dma2 semaphore(%run_scoped3A : memref<!tpu.dma_semaphore, #tpu.memory_space<semaphore_mem>>) src(%dma_wait3A_45 : memref<632x128xf32, #tpu.memory_space<vmem_shared>>) dst(%dma_wait3A_43 : memref<632x128xf32, #tpu.memory_space<hbm>>)
      tpu.yield
    }) : () -> ()
    return
  }
}

module attributes {stable_mosaic.version = 14 : i64} {
  func.func @_b2_body(%arg0: i32, %arg1: memref<2x1000x128xf32, #tpu.memory_space<vmem>>, %arg2: memref<1000x128xf32, #tpu.memory_space<vmem>>, %arg3: memref<2x1000x128xf32, #tpu.memory_space<vmem>>, %arg4: memref<1x128xf32, #tpu.memory_space<vmem>>, %arg5: memref<128x128xf32, #tpu.memory_space<vmem>>, %arg6: memref<1000x128xf32, #tpu.memory_space<vmem>>) attributes {dimension_semantics = [#tpu.dimension_semantics<arbitrary>], iteration_bounds = array<i64: 10>, scalar_prefetch = 0 : i64, scratch_operands = 0 : i64, tpu.core_type = #tpu.core_type<tc>, window_params = [{transform_indices = @transform_0, window_bounds = array<i64: 2, 1000, 128>}, {transform_indices = @transform_1, window_bounds = array<i64: 1000, 128>}, {transform_indices = @transform_2, window_bounds = array<i64: 2, 1000, 128>}, {pipeline_mode = #tpu.pipeline_mode<synchronous>, transform_indices = @transform_3, window_bounds = array<i64: 1, 128>}, {pipeline_mode = #tpu.pipeline_mode<synchronous>, transform_indices = @transform_4, window_bounds = array<i64: 128, 128>}, {transform_indices = @transform_5, window_bounds = array<i64: 1000, 128>}]} {
    %get3A = arith.constant 0 : index
    %get3A_0 = arith.constant 0 : index
    %get3A_1 = arith.constant 0 : index
    %get3A_2 = vector.load %arg3[%get3A, %get3A_0, %get3A_1] : memref<2x1000x128xf32, #tpu.memory_space<vmem>>, vector<1x1000x1xf32>
    %get3A_3 = vector.shape_cast %get3A_2 : vector<1x1000x1xf32> to vector<1000xf32>
    %get3A_4 = arith.constant 1 : index
    %get3A_5 = arith.constant 0 : index
    %get3A_6 = arith.constant 0 : index
    %get3A_7 = vector.load %arg3[%get3A_4, %get3A_5, %get3A_6] : memref<2x1000x128xf32, #tpu.memory_space<vmem>>, vector<1x1000x1xf32>
    %get3A_8 = vector.shape_cast %get3A_7 : vector<1x1000x1xf32> to vector<1000xf32>
    %add3A = arith.addf %get3A_3, %get3A_8 : vector<1000xf32>
    %add3A_9 = arith.constant 1.000000e+00 : f32
    %add3A_10 = vector.broadcast %add3A_9 : f32 to vector<1000xf32>
    %add3A_11 = arith.addf %add3A, %add3A_10 : vector<1000xf32>
    %rsqrt3A = math.rsqrt %add3A_11 : vector<1000xf32>
    %get3A_12 = arith.constant 0 : index
    %get3A_13 = arith.constant 0 : index
    %get3A_14 = arith.constant 0 : index
    %get3A_15 = vector.load %arg1[%get3A_12, %get3A_13, %get3A_14] : memref<2x1000x128xf32, #tpu.memory_space<vmem>>, vector<1x1000x128xf32>
    %get3A_16 = vector.shape_cast %get3A_15 : vector<1x1000x128xf32> to vector<1000x128xf32>
    %get3A_17 = arith.constant 1 : index
    %get3A_18 = arith.constant 0 : index
    %get3A_19 = arith.constant 0 : index
    %get3A_20 = vector.load %arg1[%get3A_17, %get3A_18, %get3A_19] : memref<2x1000x128xf32, #tpu.memory_space<vmem>>, vector<1x1000x128xf32>
    %get3A_21 = vector.shape_cast %get3A_20 : vector<1x1000x128xf32> to vector<1000x128xf32>
    %add3A_22 = arith.addf %get3A_16, %get3A_21 : vector<1000x128xf32>
    %get3A_23 = arith.constant 0 : index
    %get3A_24 = arith.constant 0 : index
    %get3A_25 = vector.load %arg2[%get3A_23, %get3A_24] : memref<1000x128xf32, #tpu.memory_space<vmem>>, vector<1000x128xf32>
    %add3A_26 = arith.addf %add3A_22, %get3A_25 : vector<1000x128xf32>
    %broadcast_in_dim3A = vector.shape_cast %rsqrt3A : vector<1000xf32> to vector<1000x1xf32>
    %mul3A = vector.broadcast %broadcast_in_dim3A : vector<1000x1xf32> to vector<1000x128xf32>
    %mul3A_27 = arith.mulf %add3A_26, %mul3A : vector<1000x128xf32>
    %get3A_28 = arith.constant 0 : index
    %get3A_29 = arith.constant 0 : index
    %get3A_30 = vector.load %arg4[%get3A_28, %get3A_29] : memref<1x128xf32, #tpu.memory_space<vmem>>, vector<1x128xf32>
    %add3A_31 = vector.broadcast %get3A_30 : vector<1x128xf32> to vector<1000x128xf32>
    %add3A_32 = arith.addf %mul3A_27, %add3A_31 : vector<1000x128xf32>
    %max3A = arith.constant 0.000000e+00 : f32
    %max3A_33 = vector.broadcast %max3A : f32 to vector<1000x128xf32>
    %max3A_34 = arith.maximumf %add3A_32, %max3A_33 : vector<1000x128xf32>
    %get3A_35 = arith.constant 0 : index
    %get3A_36 = arith.constant 0 : index
    %get3A_37 = vector.load %arg5[%get3A_35, %get3A_36] : memref<128x128xf32, #tpu.memory_space<vmem>>, vector<128x128xf32>
    %dot_general3A = arith.constant dense<0.000000e+00> : vector<1000x128xf32>
    %dot_general3A_38 = tpu.matmul %max3A_34, %get3A_37, %dot_general3A {dimension_numbers = #tpu.dot_dimension_numbers<[1], [0], [0], [1], [0, 0, 1, 1], [], []>, transpose_lhs_hint = false} : vector<1000x128xf32>, vector<128x128xf32>, vector<1000x128xf32> -> vector<1000x128xf32>
    %broadcast_in_dim3A_39 = vector.shape_cast %rsqrt3A : vector<1000xf32> to vector<1000x1xf32>
    %mul3A_40 = vector.broadcast %broadcast_in_dim3A_39 : vector<1000x1xf32> to vector<1000x128xf32>
    %mul3A_41 = arith.mulf %dot_general3A_38, %mul3A_40 : vector<1000x128xf32>
    %swap3A = arith.constant 0 : index
    %swap3A_42 = arith.constant 0 : index
    %swap3A_43 = vector.load %arg6[%swap3A, %swap3A_42] : memref<1000x128xf32, #tpu.memory_space<vmem>>, vector<1000x128xf32>
    tpu.vector_store %arg6[%swap3A, %swap3A_42], %mul3A_41 {strides = array<i32>} : memref<1000x128xf32, #tpu.memory_space<vmem>>, vector<1000x128xf32>,
    return
  }
  func.func @transform_0(%arg0: i32) -> (i32, i32, i32) {
    %c0_i32 = arith.constant 0 : i32
    %c0_i32_0 = arith.constant 0 : i32
    %c0_i32_1 = arith.constant 0 : i32
    return %c0_i32, %arg0, %c0_i32_0 : i32, i32, i32
  }
  func.func @transform_1(%arg0: i32) -> (i32, i32) {
    %c0_i32 = arith.constant 0 : i32
    %c0_i32_0 = arith.constant 0 : i32
    return %arg0, %c0_i32 : i32, i32
  }
  func.func @transform_2(%arg0: i32) -> (i32, i32, i32) {
    %c0_i32 = arith.constant 0 : i32
    %c0_i32_0 = arith.constant 0 : i32
    %c0_i32_1 = arith.constant 0 : i32
    return %c0_i32, %arg0, %c0_i32_0 : i32, i32, i32
  }
  func.func @transform_3(%arg0: i32) -> (i32, i32) {
    %c0_i32 = arith.constant 0 : i32
    %c0_i32_0 = arith.constant 0 : i32
    %c0_i32_1 = arith.constant 0 : i32
    return %c0_i32, %c0_i32_0 : i32, i32
  }
  func.func @transform_4(%arg0: i32) -> (i32, i32) {
    %c0_i32 = arith.constant 0 : i32
    %c0_i32_0 = arith.constant 0 : i32
    %c0_i32_1 = arith.constant 0 : i32
    return %c0_i32, %c0_i32_0 : i32, i32
  }
  func.func @transform_5(%arg0: i32) -> (i32, i32) {
    %c0_i32 = arith.constant 0 : i32
    %c0_i32_0 = arith.constant 0 : i32
    return %arg0, %c0_i32 : i32, i32
  }
}

module attributes {stable_mosaic.version = 14 : i64} {
  func.func @_b1_body(%arg0: i32, %arg1: memref<1000x128xf32, #tpu.memory_space<vmem>>, %arg2: memref<128x128xf32, #tpu.memory_space<vmem>>, %arg3: memref<2x1000x128xf32, #tpu.memory_space<vmem>>, %arg4: memref<1000x128xf32, #tpu.memory_space<vmem>>) attributes {dimension_semantics = [#tpu.dimension_semantics<arbitrary>], iteration_bounds = array<i64: 10>, scalar_prefetch = 0 : i64, scratch_operands = 0 : i64, tpu.core_type = #tpu.core_type<tc>, window_params = [{transform_indices = @transform_0, window_bounds = array<i64: 1000, 128>}, {pipeline_mode = #tpu.pipeline_mode<synchronous>, transform_indices = @transform_1, window_bounds = array<i64: 128, 128>}, {transform_indices = @transform_2, window_bounds = array<i64: 2, 1000, 128>}, {transform_indices = @transform_3, window_bounds = array<i64: 1000, 128>}]} {
    %get3A = arith.constant 0 : index
    %get3A_0 = arith.constant 0 : index
    %get3A_1 = arith.constant 0 : index
    %get3A_2 = vector.load %arg3[%get3A, %get3A_0, %get3A_1] : memref<2x1000x128xf32, #tpu.memory_space<vmem>>, vector<1x1000x1xf32>
    %get3A_3 = vector.shape_cast %get3A_2 : vector<1x1000x1xf32> to vector<1000xf32>
    %get3A_4 = arith.constant 1 : index
    %get3A_5 = arith.constant 0 : index
    %get3A_6 = arith.constant 0 : index
    %get3A_7 = vector.load %arg3[%get3A_4, %get3A_5, %get3A_6] : memref<2x1000x128xf32, #tpu.memory_space<vmem>>, vector<1x1000x1xf32>
    %get3A_8 = vector.shape_cast %get3A_7 : vector<1x1000x1xf32> to vector<1000xf32>
    %add3A = arith.addf %get3A_3, %get3A_8 : vector<1000xf32>
    %add3A_9 = arith.constant 1.000000e+00 : f32
    %add3A_10 = vector.broadcast %add3A_9 : f32 to vector<1000xf32>
    %add3A_11 = arith.addf %add3A, %add3A_10 : vector<1000xf32>
    %rsqrt3A = math.rsqrt %add3A_11 : vector<1000xf32>
    %get3A_12 = arith.constant 0 : index
    %get3A_13 = arith.constant 0 : index
    %get3A_14 = vector.load %arg1[%get3A_12, %get3A_13] : memref<1000x128xf32, #tpu.memory_space<vmem>>, vector<1000x128xf32>
    %get3A_15 = arith.constant 0 : index
    %get3A_16 = arith.constant 0 : index
    %get3A_17 = vector.load %arg2[%get3A_15, %get3A_16] : memref<128x128xf32, #tpu.memory_space<vmem>>, vector<128x128xf32>
    %dot_general3A = arith.constant dense<0.000000e+00> : vector<1000x128xf32>
    %dot_general3A_18 = tpu.matmul %get3A_14, %get3A_17, %dot_general3A {dimension_numbers = #tpu.dot_dimension_numbers<[1], [0], [0], [1], [0, 0, 1, 1], [], []>, transpose_lhs_hint = false} : vector<1000x128xf32>, vector<128x128xf32>, vector<1000x128xf32> -> vector<1000x128xf32>
    %broadcast_in_dim3A = vector.shape_cast %rsqrt3A : vector<1000xf32> to vector<1000x1xf32>
    %mul3A = vector.broadcast %broadcast_in_dim3A : vector<1000x1xf32> to vector<1000x128xf32>
    %mul3A_19 = arith.mulf %dot_general3A_18, %mul3A : vector<1000x128xf32>
    %swap3A = arith.constant 0 : index
    %swap3A_20 = arith.constant 0 : index
    %swap3A_21 = vector.load %arg4[%swap3A, %swap3A_20] : memref<1000x128xf32, #tpu.memory_space<vmem>>, vector<1000x128xf32>
    tpu.vector_store %arg4[%swap3A, %swap3A_20], %mul3A_19 {strides = array<i32>} : memref<1000x128xf32, #tpu.memory_space<vmem>>, vector<1000x128xf32>,
    return
  }
  func.func @transform_0(%arg0: i32) -> (i32, i32) {
    %c0_i32 = arith.constant 0 : i32
    %c0_i32_0 = arith.constant 0 : i32
    return %arg0, %c0_i32 : i32, i32
  }
  func.func @transform_1(%arg0: i32) -> (i32, i32) {
    %c0_i32 = arith.constant 0 : i32
    %c0_i32_0 = arith.constant 0 : i32
    %c0_i32_1 = arith.constant 0 : i32
    return %c0_i32, %c0_i32_0 : i32, i32
  }
  func.func @transform_2(%arg0: i32) -> (i32, i32, i32) {
    %c0_i32 = arith.constant 0 : i32
    %c0_i32_0 = arith.constant 0 : i32
    %c0_i32_1 = arith.constant 0 : i32
    return %c0_i32, %arg0, %c0_i32_0 : i32, i32, i32
  }
  func.func @transform_3(%arg0: i32) -> (i32, i32) {
    %c0_i32 = arith.constant 0 : i32
    %c0_i32_0 = arith.constant 0 : i32
    return %arg0, %c0_i32 : i32, i32
  }
}

module attributes {stable_mosaic.version = 14 : i64} {
  func.func @_f_body(%arg0: i32, %arg1: memref<2x1000x128xf32, #tpu.memory_space<vmem>>, %arg2: memref<1000x128xf32, #tpu.memory_space<vmem>>, %arg3: memref<2x1000x128xf32, #tpu.memory_space<vmem>>, %arg4: memref<1x128xf32, #tpu.memory_space<vmem>>, %arg5: memref<1x1x1000xi32, #tpu.memory_space<vmem>>, %arg6: memref<128x128xf32, #tpu.memory_space<vmem>>, %arg7: memref<1x128xf32, #tpu.memory_space<vmem>>, %arg8: memref<128x10xf32, #tpu.memory_space<vmem>>, %arg9: memref<1x10xf32, #tpu.memory_space<vmem>>, %arg10: memref<64x10xf32, #tpu.memory_space<vmem>>, %arg11: memref<64x128xf32, #tpu.memory_space<vmem>>, %arg12: memref<1x64xf32, #tpu.memory_space<vmem>>) attributes {dimension_semantics = [#tpu.dimension_semantics<arbitrary>], iteration_bounds = array<i64: 10>, scalar_prefetch = 0 : i64, scratch_operands = 2 : i64, tpu.core_type = #tpu.core_type<tc>, window_params = [{transform_indices = @transform_0, window_bounds = array<i64: 2, 1000, 128>}, {transform_indices = @transform_1, window_bounds = array<i64: 1000, 128>}, {transform_indices = @transform_2, window_bounds = array<i64: 2, 1000, 128>}, {pipeline_mode = #tpu.pipeline_mode<synchronous>, transform_indices = @transform_3, window_bounds = array<i64: 1, 128>}, {transform_indices = @transform_4, window_bounds = array<i64: 1, 1, 1000>}, {pipeline_mode = #tpu.pipeline_mode<synchronous>, transform_indices = @transform_5, window_bounds = array<i64: 128, 128>}, {pipeline_mode = #tpu.pipeline_mode<synchronous>, transform_indices = @transform_6, window_bounds = array<i64: 1, 128>}, {pipeline_mode = #tpu.pipeline_mode<synchronous>, transform_indices = @transform_7, window_bounds = array<i64: 128, 10>}, {pipeline_mode = #tpu.pipeline_mode<synchronous>, transform_indices = @transform_8, window_bounds = array<i64: 1, 10>}, {pipeline_mode = #tpu.pipeline_mode<synchronous>, transform_indices = @transform_9, window_bounds = array<i64: 64, 10>}]} {
    %get3A = arith.constant 0 : index
    %get3A_0 = arith.constant 0 : index
    %get3A_1 = arith.constant 0 : index
    %get3A_2 = vector.load %arg3[%get3A, %get3A_0, %get3A_1] : memref<2x1000x128xf32, #tpu.memory_space<vmem>>, vector<1x1000x1xf32>
    %get3A_3 = vector.shape_cast %get3A_2 : vector<1x1000x1xf32> to vector<1000xf32>
    %get3A_4 = arith.constant 1 : index
    %get3A_5 = arith.constant 0 : index
    %get3A_6 = arith.constant 0 : index
    %get3A_7 = vector.load %arg3[%get3A_4, %get3A_5, %get3A_6] : memref<2x1000x128xf32, #tpu.memory_space<vmem>>, vector<1x1000x1xf32>
    %get3A_8 = vector.shape_cast %get3A_7 : vector<1x1000x1xf32> to vector<1000xf32>
    %add3A = arith.addf %get3A_3, %get3A_8 : vector<1000xf32>
    %add3A_9 = arith.constant 1.000000e+00 : f32
    %add3A_10 = vector.broadcast %add3A_9 : f32 to vector<1000xf32>
    %add3A_11 = arith.addf %add3A, %add3A_10 : vector<1000xf32>
    %rsqrt3A = math.rsqrt %add3A_11 : vector<1000xf32>
    %get3A_12 = arith.constant 0 : index
    %get3A_13 = arith.constant 0 : index
    %get3A_14 = arith.constant 0 : index
    %get3A_15 = vector.load %arg1[%get3A_12, %get3A_13, %get3A_14] : memref<2x1000x128xf32, #tpu.memory_space<vmem>>, vector<1x1000x128xf32>
    %get3A_16 = vector.shape_cast %get3A_15 : vector<1x1000x128xf32> to vector<1000x128xf32>
    %get3A_17 = arith.constant 1 : index
    %get3A_18 = arith.constant 0 : index
    %get3A_19 = arith.constant 0 : index
    %get3A_20 = vector.load %arg1[%get3A_17, %get3A_18, %get3A_19] : memref<2x1000x128xf32, #tpu.memory_space<vmem>>, vector<1x1000x128xf32>
    %get3A_21 = vector.shape_cast %get3A_20 : vector<1x1000x128xf32> to vector<1000x128xf32>
    %add3A_22 = arith.addf %get3A_16, %get3A_21 : vector<1000x128xf32>
    %get3A_23 = arith.constant 0 : index
    %get3A_24 = arith.constant 0 : index
    %get3A_25 = vector.load %arg2[%get3A_23, %get3A_24] : memref<1000x128xf32, #tpu.memory_space<vmem>>, vector<1000x128xf32>
    %add3A_26 = arith.addf %add3A_22, %get3A_25 : vector<1000x128xf32>
    %broadcast_in_dim3A = vector.shape_cast %rsqrt3A : vector<1000xf32> to vector<1000x1xf32>
    %mul3A = vector.broadcast %broadcast_in_dim3A : vector<1000x1xf32> to vector<1000x128xf32>
    %mul3A_27 = arith.mulf %add3A_26, %mul3A : vector<1000x128xf32>
    %get3A_28 = arith.constant 0 : index
    %get3A_29 = arith.constant 0 : index
    %get3A_30 = vector.load %arg4[%get3A_28, %get3A_29] : memref<1x128xf32, #tpu.memory_space<vmem>>, vector<1x128xf32>
    %add3A_31 = vector.broadcast %get3A_30 : vector<1x128xf32> to vector<1000x128xf32>
    %add3A_32 = arith.addf %mul3A_27, %add3A_31 : vector<1000x128xf32>
    %max3A = arith.constant 0.000000e+00 : f32
    %max3A_33 = vector.broadcast %max3A : f32 to vector<1000x128xf32>
    %max3A_34 = arith.maximumf %add3A_32, %max3A_33 : vector<1000x128xf32>
    %get3A_35 = arith.constant 0 : index
    %get3A_36 = arith.constant 0 : index
    %get3A_37 = arith.constant 0 : index
    %get3A_38 = vector.load %arg5[%get3A_35, %get3A_36, %get3A_37] : memref<1x1x1000xi32, #tpu.memory_space<vmem>>, vector<1x1x1000xi32>
    %get3A_39 = vector.shape_cast %get3A_38 : vector<1x1x1000xi32> to vector<1000xi32>
    %broadcast_in_dim3A_40 = vector.shape_cast %get3A_39 : vector<1000xi32> to vector<1000x1xi32>
    %iota3A = tpu.iota {dimensions = array<i32: 1>} : vector<1000x64xi32>
    %eq3A = vector.broadcast %broadcast_in_dim3A_40 : vector<1000x1xi32> to vector<1000x64xi32>
    %eq3A_41 = arith.cmpi eq, %eq3A, %iota3A : vector<1000x64xi32>
    %convert_element_type3A = arith.extui %eq3A_41 : vector<1000x64xi1> to vector<1000x64xi32>
    %convert_element_type3A_42 = arith.sitofp %convert_element_type3A : vector<1000x64xi32> to vector<1000x64xf32>
    %dot_general3A = arith.constant dense<0.000000e+00> : vector<64x128xf32>
    %dot_general3A_43 = tpu.matmul %convert_element_type3A_42, %max3A_34, %dot_general3A {dimension_numbers = #tpu.dot_dimension_numbers<[0], [0], [1], [1], [0, 1, 1, 1], [], []>, transpose_lhs_hint = false} : vector<1000x64xf32>, vector<1000x128xf32>, vector<64x128xf32> -> vector<64x128xf32>
    %reduce_sum3A = arith.constant dense<0.000000e+00> : vector<64xf32>
    %reduce_sum3A_44 = vector.multi_reduction <add>, %convert_element_type3A_42, %reduce_sum3A [0] : vector<1000x64xf32> to vector<64xf32>
    %broadcast_in_dim3A_45 = vector.shape_cast %reduce_sum3A_44 : vector<64xf32> to vector<1x64xf32>
    %eq3A_46 = arith.constant 0 : i32
    %eq3A_47 = arith.cmpi eq, %arg0, %eq3A_46 : i32
    %convert_element_type3A_48 = arith.extui %eq3A_47 : i1 to i32
    %cond3A = arith.constant 0 : i32
    %cond3A_49 = arith.cmpi ne, %convert_element_type3A_48, %cond3A : i32
    scf.if %cond3A_49 {
      %swap3A = arith.constant 0 : index
      %swap3A_59 = arith.constant 0 : index
      %swap3A_60 = vector.load %arg11[%swap3A, %swap3A_59] : memref<64x128xf32, #tpu.memory_space<vmem>>, vector<64x128xf32>
      tpu.vector_store %arg11[%swap3A, %swap3A_59], %dot_general3A_43 {strides = array<i32>} : memref<64x128xf32, #tpu.memory_space<vmem>>, vector<64x128xf32>,
      %swap3A_61 = arith.constant 0 : index
      %swap3A_62 = arith.constant 0 : index
      %swap3A_63 = vector.load %arg12[%swap3A_61, %swap3A_62] : memref<1x64xf32, #tpu.memory_space<vmem>>, vector<1x64xf32>
      tpu.vector_store %arg12[%swap3A_61, %swap3A_62], %broadcast_in_dim3A_45 {strides = array<i32>} : memref<1x64xf32, #tpu.memory_space<vmem>>, vector<1x64xf32>,
    } else {
    }
    %gt3A = arith.constant 0 : i32
    %gt3A_50 = arith.cmpi sgt, %arg0, %gt3A : i32
    %convert_element_type3A_51 = arith.extui %gt3A_50 : i1 to i32
    %cond3A_52 = arith.constant 0 : i32
    %cond3A_53 = arith.cmpi ne, %convert_element_type3A_51, %cond3A_52 : i32
    scf.if %cond3A_53 {
      %get3A_59 = arith.constant 0 : index
      %get3A_60 = arith.constant 0 : index
      %get3A_61 = vector.load %arg11[%get3A_59, %get3A_60] : memref<64x128xf32, #tpu.memory_space<vmem>>, vector<64x128xf32>
      %add3A_62 = arith.addf %get3A_61, %dot_general3A_43 : vector<64x128xf32>
      %swap3A = arith.constant 0 : index
      %swap3A_63 = arith.constant 0 : index
      %swap3A_64 = vector.load %arg11[%swap3A, %swap3A_63] : memref<64x128xf32, #tpu.memory_space<vmem>>, vector<64x128xf32>
      tpu.vector_store %arg11[%swap3A, %swap3A_63], %add3A_62 {strides = array<i32>} : memref<64x128xf32, #tpu.memory_space<vmem>>, vector<64x128xf32>,
      %get3A_65 = arith.constant 0 : index
      %get3A_66 = arith.constant 0 : index
      %get3A_67 = vector.load %arg12[%get3A_65, %get3A_66] : memref<1x64xf32, #tpu.memory_space<vmem>>, vector<1x64xf32>
      %add3A_68 = arith.addf %get3A_67, %broadcast_in_dim3A_45 : vector<1x64xf32>
      %swap3A_69 = arith.constant 0 : index
      %swap3A_70 = arith.constant 0 : index
      %swap3A_71 = vector.load %arg12[%swap3A_69, %swap3A_70] : memref<1x64xf32, #tpu.memory_space<vmem>>, vector<1x64xf32>
      tpu.vector_store %arg12[%swap3A_69, %swap3A_70], %add3A_68 {strides = array<i32>} : memref<1x64xf32, #tpu.memory_space<vmem>>, vector<1x64xf32>,
    } else {
    }
    %eq3A_54 = arith.constant 9 : i32
    %eq3A_55 = arith.cmpi eq, %arg0, %eq3A_54 : i32
    %convert_element_type3A_56 = arith.extui %eq3A_55 : i1 to i32
    %cond3A_57 = arith.constant 0 : i32
    %cond3A_58 = arith.cmpi ne, %convert_element_type3A_56, %cond3A_57 : i32
    scf.if %cond3A_58 {
      %get3A_59 = arith.constant 0 : index
      %get3A_60 = arith.constant 0 : index
      %get3A_61 = vector.load %arg11[%get3A_59, %get3A_60] : memref<64x128xf32, #tpu.memory_space<vmem>>, vector<64x128xf32>
      %get3A_62 = arith.constant 0 : index
      %get3A_63 = arith.constant 0 : index
      %get3A_64 = vector.load %arg12[%get3A_62, %get3A_63] : memref<1x64xf32, #tpu.memory_space<vmem>>, vector<1x64xf32>
      %get3A_65 = vector.shape_cast %get3A_64 : vector<1x64xf32> to vector<64xf32>
      %max3A_66 = arith.constant 1.000000e+00 : f32
      %max3A_67 = vector.broadcast %max3A_66 : f32 to vector<64xf32>
      %max3A_68 = arith.maximumf %get3A_65, %max3A_67 : vector<64xf32>
      %broadcast_in_dim3A_69 = vector.shape_cast %max3A_68 : vector<64xf32> to vector<64x1xf32>
      %div3A = vector.broadcast %broadcast_in_dim3A_69 : vector<64x1xf32> to vector<64x128xf32>
      %div3A_70 = arith.divf %get3A_61, %div3A : vector<64x128xf32>
      %get3A_71 = arith.constant 0 : index
      %get3A_72 = arith.constant 0 : index
      %get3A_73 = vector.load %arg6[%get3A_71, %get3A_72] : memref<128x128xf32, #tpu.memory_space<vmem>>, vector<128x128xf32>
      %dot_general3A_74 = arith.constant dense<0.000000e+00> : vector<64x128xf32>
      %dot_general3A_75 = tpu.matmul %div3A_70, %get3A_73, %dot_general3A_74 {dimension_numbers = #tpu.dot_dimension_numbers<[1], [0], [0], [1], [0, 0, 1, 1], [], []>, transpose_lhs_hint = false} : vector<64x128xf32>, vector<128x128xf32>, vector<64x128xf32> -> vector<64x128xf32>
      %get3A_76 = arith.constant 0 : index
      %get3A_77 = arith.constant 0 : index
      %get3A_78 = vector.load %arg7[%get3A_76, %get3A_77] : memref<1x128xf32, #tpu.memory_space<vmem>>, vector<1x128xf32>
      %add3A_79 = vector.broadcast %get3A_78 : vector<1x128xf32> to vector<64x128xf32>
      %add3A_80 = arith.addf %dot_general3A_75, %add3A_79 : vector<64x128xf32>
      %max3A_81 = arith.constant 0.000000e+00 : f32
      %max3A_82 = vector.broadcast %max3A_81 : f32 to vector<64x128xf32>
      %max3A_83 = arith.maximumf %add3A_80, %max3A_82 : vector<64x128xf32>
      %get3A_84 = arith.constant 0 : index
      %get3A_85 = arith.constant 0 : index
      %get3A_86 = vector.load %arg8[%get3A_84, %get3A_85] : memref<128x10xf32, #tpu.memory_space<vmem>>, vector<128x10xf32>
      %dot_general3A_87 = arith.constant dense<0.000000e+00> : vector<64x10xf32>
      %dot_general3A_88 = tpu.matmul %max3A_83, %get3A_86, %dot_general3A_87 {dimension_numbers = #tpu.dot_dimension_numbers<[1], [0], [0], [1], [0, 0, 1, 1], [], []>, transpose_lhs_hint = false} : vector<64x128xf32>, vector<128x10xf32>, vector<64x10xf32> -> vector<64x10xf32>
      %get3A_89 = arith.constant 0 : index
      %get3A_90 = arith.constant 0 : index
      %get3A_91 = vector.load %arg9[%get3A_89, %get3A_90] : memref<1x10xf32, #tpu.memory_space<vmem>>, vector<1x10xf32>
      %add3A_92 = vector.broadcast %get3A_91 : vector<1x10xf32> to vector<64x10xf32>
      %add3A_93 = arith.addf %dot_general3A_88, %add3A_92 : vector<64x10xf32>
      %swap3A = arith.constant 0 : index
      %swap3A_94 = arith.constant 0 : index
      %swap3A_95 = vector.load %arg10[%swap3A, %swap3A_94] : memref<64x10xf32, #tpu.memory_space<vmem>>, vector<64x10xf32>
      tpu.vector_store %arg10[%swap3A, %swap3A_94], %add3A_93 {strides = array<i32>} : memref<64x10xf32, #tpu.memory_space<vmem>>, vector<64x10xf32>,
    } else {
    }
    return
  }
  func.func @transform_0(%arg0: i32) -> (i32, i32, i32) {
    %c0_i32 = arith.constant 0 : i32
    %c0_i32_0 = arith.constant 0 : i32
    %c0_i32_1 = arith.constant 0 : i32
    return %c0_i32, %arg0, %c0_i32_0 : i32, i32, i32
  }
  func.func @transform_1(%arg0: i32) -> (i32, i32) {
    %c0_i32 = arith.constant 0 : i32
    %c0_i32_0 = arith.constant 0 : i32
    return %arg0, %c0_i32 : i32, i32
  }
  func.func @transform_2(%arg0: i32) -> (i32, i32, i32) {
    %c0_i32 = arith.constant 0 : i32
    %c0_i32_0 = arith.constant 0 : i32
    %c0_i32_1 = arith.constant 0 : i32
    return %c0_i32, %arg0, %c0_i32_0 : i32, i32, i32
  }
  func.func @transform_3(%arg0: i32) -> (i32, i32) {
    %c0_i32 = arith.constant 0 : i32
    %c0_i32_0 = arith.constant 0 : i32
    %c0_i32_1 = arith.constant 0 : i32
    return %c0_i32, %c0_i32_0 : i32, i32
  }
  func.func @transform_4(%arg0: i32) -> (i32, i32, i32) {
    %c0_i32 = arith.constant 0 : i32
    %c0_i32_0 = arith.constant 0 : i32
    %c0_i32_1 = arith.constant 0 : i32
    return %arg0, %c0_i32, %c0_i32_0 : i32, i32, i32
  }
  func.func @transform_5(%arg0: i32) -> (i32, i32) {
    %c0_i32 = arith.constant 0 : i32
    %c0_i32_0 = arith.constant 0 : i32
    %c0_i32_1 = arith.constant 0 : i32
    return %c0_i32, %c0_i32_0 : i32, i32
  }
  func.func @transform_6(%arg0: i32) -> (i32, i32) {
    %c0_i32 = arith.constant 0 : i32
    %c0_i32_0 = arith.constant 0 : i32
    %c0_i32_1 = arith.constant 0 : i32
    return %c0_i32, %c0_i32_0 : i32, i32
  }
  func.func @transform_7(%arg0: i32) -> (i32, i32) {
    %c0_i32 = arith.constant 0 : i32
    %c0_i32_0 = arith.constant 0 : i32
    %c0_i32_1 = arith.constant 0 : i32
    return %c0_i32, %c0_i32_0 : i32, i32
  }
  func.func @transform_8(%arg0: i32) -> (i32, i32) {
    %c0_i32 = arith.constant 0 : i32
    %c0_i32_0 = arith.constant 0 : i32
    %c0_i32_1 = arith.constant 0 : i32
    return %c0_i32, %c0_i32_0 : i32, i32
  }
  func.func @transform_9(%arg0: i32) -> (i32, i32) {
    %c0_i32 = arith.constant 0 : i32
    %c0_i32_0 = arith.constant 0 : i32
    %c0_i32_1 = arith.constant 0 : i32
    return %c0_i32, %c0_i32_0 : i32, i32
  }
}

</mosaic_0001>

<sc_bundles>
// kernel: kernel.10.cloned.1.call-start
scs
__scs_entry_jumppad:
0x0: {  	(pc) =	sbr.rel $0x88, $3  }
0x1: {  	(tag) =	ssettag $0x0;
	lr =	simm.s32 $0x1  }
0x2: {  	[smem:$0x3F94] =	sst lr;
	_ =	strace $0xD0000000  }
0x3: {  	_ = 	snop  }
0x4: {  	_ = 	snop  }
0x5: {  	_ = 	snop  }
0x6: {  	_ = 	snop  }
0x7: {  	_ = 	snop  }
__scs_overlays_trampoline_lowered:
0x8: {  	[smem:$0x3FA3] =	sst s0  }
0x9: {  	[smem:$0x3FA4] =	sst s1  }
0xa: {  	[smem:$0x3FA5] =	sst s2  }
0xb: {  	[smem:$0x3FA6] =	sst s3  }
0xc: {  	[smem:$0x3FA7] =	sst s4  }
0xd: {  	[smem:$0x3FA8] =	sst s5  }
0xe: {  	[smem:$0x3FA9] =	sst s6  }
0xf: {  	[smem:$0x3FAA] =	sst s7  }
0x10: {  	[smem:$0x3FAB] =	sst s8  }
0x11: {  	[smem:$0x3FAC] =	sst s9;
	s0 =	simm.s32 @!p0 $0x0  }
0x12: {  	s1 =	sld [smem:$0x3F92];
	s0 =	simm.s32 @p0 $0x1  }
0x13: {  	[smem:$0x3FAD] =	sst s0;
	s0 =	simm.s32 @!p1 $0x0  }
0x14: {  	s2 =	sld [smem:$0x3F91];
	s0 =	simm.s32 @p1 $0x1  }
0x15: {  	[smem:$0x3FAE] =	sst s0;
	s0 =	simm.s32 @!p2 $0x0  }
0x16: {  	s3 =	sld [smem:$0x3FDB];
	s0 =	simm.s32 @p2 $0x1  }
0x17: {  	s4 =	simm.s32 $0x1BF5;
	[smem:$0x3FB0] =	sst s0  }
0x18: {  	s0 =	sld [smem:$0x3F93];
	_ =	swait.ge [sflag:s4], $0x0  }
0x19: {  	s7 =	sld [smem:$0x3F94]  }
0x1a: {  	s8 =	sadd.s32 $0xFFFFE003, lr  }
0x1b: {  	s9 =	sadd.s32 $0xFFFFFEF7, lr;
	s5 =	simm.s32 $0xFFFFFFFF;
	p2 =	slt.u32 s8, $0xFFFFF086  }
0x1c: {  	p1 =	slt.u32 s9, $0xF7A;
	s5 =	simm.s32 @!p2 $0x0  }
0x1d: {  	s5 =	simm.s32 @p1 $0x1;
	p0 =	seq.s32 s7, s2  }
0x1e: {  	s7 =	smul.u32 @!p0 $0xF7A, s2;
	p2 =	seq.s32 @!p0 s5, $0x0  }
0x1f: {  	s9 =	smul.u32 $0xF7A, s1;
	s8 =	simm.s32 @!p0 $0x1BF5;
	p2 =	por !p2, p0  }
0x20: {  	[sflag:s8] =	ssyncset.s32 @!p0 $0xFFFFF086;
	s6 =	sadd.s32 @!p0 s3, s7;
	s7 =	simm.s32 @!p0 $0x108  }
0x21: {  	s3 =	sadd.s32 s3, s9;
	s6 =	sadd.s32 @!p0 $0x88, s6;
	s7 =	simm.s32 @p2 $0x1082  }
0x22: {  	[simem:s7], [sflag:s8] =	dma.local @!p0 [hbm:s6], $0xF7A  }
0x23: {  	s9 =	sor.u32 $0xD0000000, s2;
	s6 =	simm.s32 $0x108;
	_ =	swait.ge @!p0 [sflag:s8], $0x0  }
0x24: {  	s3 =	sadd.s32 $0x88, s3;
	s6 =	simm.s32 @!p1 $0x1082;
	[sflag:s4] =	ssyncset.s32 $0xFFFFF086  }
0x25: {  	[simem:s6], [sflag:s4] =	dma.local [hbm:s3], $0xF7A  }
0x26: {  	[smem:$0x3F94] =	sst s1;
	(tag) =	ssettag s2;
	_ =	strace s9  }
0x27: {  	s1 =	sld [smem:$0x3FA4]  }
0x28: {  	s2 =	sld [smem:$0x3FA5]  }
0x29: {  	s4 =	sld [smem:$0x3FA7]  }
0x2a: {  	p0 =	seq.s32 s5, $0x0;
	s5 =	sld [smem:$0x3FA8]  }
0x2b: {  	s6 =	sld [smem:$0x3FA9]  }
0x2c: {  	s7 =	sld [smem:$0x3FAA]  }
0x2d: {  	s3 =	simm.s32 $0x108;
	s8 =	sld [smem:$0x3FAB]  }
0x2e: {  	s3 =	simm.s32 @!p0 $0x1082;
	s9 =	sld [smem:$0x3FAC]  }
0x2f: {  	lr =	sadd.s32 s0, s3;
	s0 =	sld [smem:$0x3FA3]  }
0x30: {  	s3 =	sld [smem:$0x3FA6]  }
0x31: {  	[smem:$0x3FAF] =	sst s10  }
0x32: {  	s10 =	sld [smem:$0x3FAD];
	_ =	sdelay $0x3  }
0x33: {  	p0 =	seq.s32 s10, $0x1;
	s10 =	sld [smem:$0x3FAF];
	_ =	sdelay $0x3  }
0x34: {  	[smem:$0x3FAF] =	sst s10  }
0x35: {  	s10 =	sld [smem:$0x3FAE];
	_ =	sdelay $0x3  }
0x36: {  	p1 =	seq.s32 s10, $0x1;
	s10 =	sld [smem:$0x3FAF];
	_ =	sdelay $0x3  }
0x37: {  	[smem:$0x3FAF] =	sst s10  }
0x38: {  	s10 =	sld [smem:$0x3FB0]  }
0x39: {  	_ = 	snop;
	(pc) =	sbr.ind lr, $3  }
0x3a: {  	_ = 	snop  }
0x3b: {  	_ = 	snop  }
0x3c: {  	p2 =	seq.s32 s10, $0x1;
	s10 =	sld [smem:$0x3FAF]  }
0x3d: {  	_ =	shalt  }
0x3e: {  	_ =	shalt  }
0x3f: {  	_ =	shalt  }
0x40: {  	_ =	shalt  }
0x41: {  	_ =	shalt  }
0x42: {  	_ =	shalt  }
0x43: {  	_ =	shalt  }
0x44: {  	_ =	shalt  }
0x45: {  	_ =	shalt  }
0x46: {  	_ =	shalt  }
0x47: {  	_ =	shalt  }
0x48: {  	_ =	shalt  }
0x49: {  	_ =	shalt  }
0x4a: {  	_ =	shalt  }
0x4b: {  	_ =	shalt  }
0x4c: {  	_ =	shalt  }
0x4d: {  	_ =	shalt  }
0x4e: {  	_ =	shalt  }
0x4f: {  	_ =	shalt  }
0x50: {  	_ =	shalt  }
0x51: {  	_ =	shalt  }
0x52: {  	_ =	shalt  }
0x53: {  	_ =	shalt  }
0x54: {  	_ =	shalt  }
0x55: {  	_ =	shalt  }
0x56: {  	_ =	shalt  }
0x57: {  	_ =	shalt  }
0x58: {  	_ =	shalt  }
0x59: {  	_ =	shalt  }
0x5a: {  	_ =	shalt  }
0x5b: {  	_ =	shalt  }
0x5c: {  	_ =	shalt  }
0x5d: {  	_ =	shalt  }
0x5e: {  	_ =	shalt  }
0x5f: {  	_ =	shalt  }
0x60: {  	_ =	shalt  }
0x61: {  	_ =	shalt  }
0x62: {  	_ =	shalt  }
0x63: {  	_ =	shalt  }
0x64: {  	_ =	shalt  }
0x65: {  	_ =	shalt  }
0x66: {  	_ =	shalt  }
0x67: {  	_ =	shalt  }
0x68: {  	_ =	shalt  }
0x69: {  	_ =	shalt  }
0x6a: {  	_ =	shalt  }
0x6b: {  	_ =	shalt  }
0x6c: {  	_ =	shalt  }
0x6d: {  	_ =	shalt  }
0x6e: {  	_ =	shalt  }
0x6f: {  	_ =	shalt  }
0x70: {  	_ =	shalt  }
0x71: {  	_ =	shalt  }
0x72: {  	_ =	shalt  }
0x73: {  	_ =	shalt  }
0x74: {  	_ =	shalt  }
0x75: {  	_ =	shalt  }
0x76: {  	_ =	shalt  }
0x77: {  	_ =	shalt  }
0x78: {  	_ =	shalt  }
0x79: {  	_ =	shalt  }
0x7a: {  	_ =	shalt  }
0x7b: {  	_ =	shalt  }
0x7c: {  	_ =	shalt  }
0x7d: {  	_ =	shalt  }
0x7e: {  	_ =	shalt  }
0x7f: {  	_ =	shalt  }
0x80: {  	_ =	shalt  }
0x81: {  	_ =	shalt  }
0x82: {  	_ =	shalt  }
0x83: {  	_ =	shalt  }
0x84: {  	_ =	shalt  }
0x85: {  	_ =	shalt  }
0x86: {  	_ =	shalt  }
0x87: {  	_ =	shalt  }
.Lfunc_end0:
.L_simem_size_0:
called_computation_lowered:
.L_overlay_start_0:
0x88: {  	s2 =	sld [smem:$0x3FD9]  }
0x89: {  	s3 =	sld [smem:$0x3FFE];
	_ =	sdelay $0x1  }
0x8a: {  	s1 =	srdreg.scid  }
0x8b: {  	s0 =	sand.u32 $0x1, s1  }
0x8c: {  	s16 =	sshll.u32 s0, $0xA;
	s2 =	sadd.s32 s3, s2  }
0x8d: {  	s2 =	sadd.s32 s2, s16  }
0x8e: {  	[smem:$0x3FBB] =	sst s2  }
0x8f: {  	_ = 	snop  }
0x90: {  	(tm) =	ssettm $0x1  }
0x91: {  	s17 =	sld [smem:$0x3FFB];
	_ =	sdelay $0x3  }
0x92: {  	_ =	strace s17  }
0x93: {  	s2 =	sld [smem:$0x3FFC];
	_ =	sdelay $0x3  }
0x94: {  	_ =	strace s2  }
0x95: {  	s2 =	sld [smem:$0x3FFD];
	_ =	sdelay $0x3  }
0x96: {  	_ =	strace s2  }
0x97: {  	_ =	strace $0x8FFFFFFF  }
0x98: {  	s18 =	sld [smem:$0x3FDB];
	_ =	sdelay $0x1  }
0x99: {  	s19 =	simm.s32 $_scs_section_size  }
0x9a: {  	s4 =	simm.s32 $_size__tile_overlayer_lowered;
	s5 =	simm.s32 $_tile_overlayer_lowered  }
0x9b: {  	s22 =	simm.s32 $0x1BFF;
	s21 =	sshll.u32 s5, $0x1;
	s2 =	sadd.s32 s19, s18  }
0x9c: {  	s6 =	simm.s32 $0x0;
	s20 =	sshll.u32 s4, $0x1;
	s4 =	sadd.s32 s21, s2  }
0x9d: {  	[timem:s6], [sflag:s22] =	dma.local [hbm:s4], s20  }
0x9e: {  	_ =	swait.ge [sflag:s22], s20  }
0x9f: {  	s3 =	ssub.s32 $0x0, s20;
	[sflag:s22] =	ssyncset.done $0x0  }
0xa0: {  	[sflag:s22] =	ssyncadd.s32 s3;
	_ =	sdelay $0x1  }
0xa1: {  	s23 =	simm.s32 $0x1B8B  }
0xa2: {  	_ =	swait.ge [sflag:s23], $0x1  }
0xa3: {  	[sflag:s23] =	ssyncset.done $0x0  }
0xa4: {  	s25 =	simm.s32 $0x1B8E;
	s24 =	sld [smem:$0x3FFE];
	[sflag:s23] =	ssyncadd.s32 $0xFFFFFFFF  }
0xa5: {  	s26 =	simm.s32 $execute0_lowered;
	[smem:$0x3FD2] =	sst s25  }
0xa6: {  	s4 =	sshll.u32 s26, $0x1;
	_ =	strace $0x80000046;
	[dreg:$0x1] =	wrdreg $0xFFFFFFFF  }
0xa7: {  	s28 =	simm.s32 $_size_execute0_lowered;
	s2 =	sadd.s32 s2, s4;
	[dreg:$0x0] =	wrdreg $0x0  }
0xa8: {  	s4 =	sshll.u32 s28, $0x1;
	[dreg:$0x2] =	wrdreg s2  }
0xa9: {  	[dreg:$0x3] =	wrdreg s4  }
0xaa: {  	[dreg:$0x4] =	wrdreg $0xC0  }
0xab: {  	_ =	task [dreg:s6], $0x5FFFF  }
0xac: {  	[dreg:$0x1] =	wrdreg $0xFFFFFFFF  }
0xad: {  	[dreg:$0x0] =	wrdreg $0x60  }
0xae: {  	[dreg:$0x2] =	wrdreg s24  }
0xaf: {  	[dreg:$0x3] =	wrdreg $0x68000  }
0xb0: {  	[dreg:$0x4] =	wrdreg $0x9  }
0xb1: {  	_ =	task.clear_ibuf [dreg:s6], $0x5FFFF;
	_ =	strace $0x90000046  }
0xb2: {  	s29 =	simm.s32 $0x9;
	_ =	strace $0x80000048  }
0xb3: {  	_ =	swait.ge [sflag:s29], $0x1  }
0xb4: {  	[sflag:s29] =	ssyncadd.s32 $0xFFFFFFFF  }
0xb5: {  	_ =	strace $0x90000048  }
0xb6: {  	_ =	sfence  }
0xb7: {  	s30 =	sld [smem:$0x0];
	_ =	sdelay $0x2  }
0xb8: {  	s31 =	sshll.u32 s1, $0xD;
	s1 =	sshrl.u32 s1, $0x2  }
0xb9: {  	s3 =	sand.u32 $0x4000, s31;
	s1 =	sadd.s32 s1, s30  }
0xba: {  	s0 =	sor.u32 s3, s0;
	s1 =	sshll.u32 s1, $0x11  }
0xbb: {  	s0 =	sor.u32 s1, s0  }
0xbc: {  	s0 =	sadd.s32 $0x8F2B, s0  }
0xbd: {  	[sflag:s0] =	ssyncadd.remote.s32 $0x1  }
0xbe: {  	_ =	sfence.sel $0xFFFF  }
0xbf: {  	[dreg:$0x0] =	wrdreg $0xFFFFFFFF;
	(pc) =	sbr.abs _section_cstart, $3  }
0xc0: {  	[dreg:$0x1] =	wrdreg $0xFFFFFFFF  }
0xc1: {  	_ =	task.clear_ibuf [dreg:s6], $0x2FFFF;
	_ =	strace $0x9FFFFFFF  }
0xc2: {  	(tm) =	ssettm $0x7FFFFFFF  }
0xc3: {  	_ =	shalt  }
tec
execute0_lowered:
.L_overlay_start_1:
0x0: {  	(tag) =	ssettag $0x1  }
0x1: {  	s7 =	rddreg [dreg:$0x0]  }
0x2: {  	s0 =	srdreg.scid;
	s2 =	rddreg [dreg:$0x1]  }
0x3: {  	s3 =	simm.s32 $0x0;
	s13 =	simm.s32 $0x80;
	s6 =	sand.u32 $0x1, s0  }
0x4: {  	s14 =	simm.s32 $0x0;
	s0 =	stileid.u32;
	s5 =	smul.u32 $0x13C000, s6  }
0x5: {  	[smem:$0x7FF] =	sst s3;
	s1 =	sshll.u32 s6, $0x4;
	s8 =	smul.u32 $0x13C00, s0  }
0x6: {  	s10 =	smul.u32 $0x4F000, s0;
	s6 =	ssub.s32 $0x2, s6;
	s11 =	sshll.u32 s0, $0x6  }
0x7: {  	s1 =	sor.u32 s0, s1;
	s31 =	sshrl.u32 s6, $0x1;
	s11 =	sor.u32 $0x1C01, s11  }
0x8: {  	s4 =	smul.u32 $0x500, s1;
	s1 =	rddreg [dreg:$0x2];
	_ =	strace $0x80000047  }
0x9: {  	s8 =	sadd.s32 s8, s5;
	s5 =	sadd.s32 $0x18200, s7;
	s10 =	sshrl.u32 s10, $0x2  }
0xa: {  	s8 =	sshrl.u32 s8, $0x3;
	s12 =	sadd.s32 s10, s2;
	s10 =	simm.s32 $0x2800  }
0xb: {  	s9 =	sadd.s32 s4, s7;
	s4 =	sadd.s32 $0x1AA00, s7;
	s7 =	sadd.s32 s8, s7  }
0xc: {  	s8 =	ssub.s32 s6, s31;
	s12 =	sshrl.u32 s12, $0x3;
	s6 =	sadd.s32 $0xE200, s9  }
0xd: {  	s7 =	sadd.s32 $0x1B200, s7;
	s8 =	smax.u32 s8, $0x1;
	s9 =	simm.s32 $0x1  }
.LBB2_1:
0xe: {  	[tilespmem:s3], [sflag:$0x1] =	stream.linear.gather [hbm4b:s6+s3], $0x2800, $0x38;
	[tilespmem:$0x1A400] =	vst v63  }
0xf: {  	_ =	swait.ge [sflag:s9], $0x2800  }
0x10: {  	[sflag:s9] =	ssyncset.done $0x0  }
0x11: {  	[sflag:s9] =	ssyncadd.s32 $0xFFFFD800  }
0x12: {  	[tilespmem:s10], [sflag:$0x1] =	stream.linear.gather [hbm4b:s4+s3], $0x4000, $0x38;
	[tilespmem:$0x1A400] =	vst v63  }
0x13: {  	_ =	swait.ge [sflag:s9], $0x4000  }
0x14: {  	[sflag:s9] =	ssyncset.done $0x0  }
0x15: {  	[sflag:s9] =	ssyncadd.s32 $0xFFFFC000  }
0x16: {  	[spmem:s12], [sflag:s11] =	dma.local [hbm:s5], $0x2780  }
0x17: {  	_ =	swait.ge [sflag:s9], $0x2780  }
0x18: {  	[sflag:s9] =	ssyncset.done $0x0  }
0x19: {  	[sflag:s9] =	ssyncadd.s32 $0xFFFFD880  }
0x1a: {  	s15 =	simm.s32 $0x0;
	[bflag:$0x0] =	sbarrier.arrive $0xFFFF  }
0x1b: {  	[spmem:s2] =	stream.indirect.scatter.add.f32 [tilespmem:s10], [sflag:$0x1], $0x80, s15, s13, $0xb8;
	[tilespmem:$0x1A400] =	vst v63  }
0x1c: {  	_ =	swait.ge [sflag:s9], $0x4000  }
0x1d: {  	s15 =	simm.s32 $0x200;
	[sflag:s9] =	ssyncset.done $0x0  }
.LBB2_2:
0x1e: {  	s16 =	sshra.s32 s15, $0x2;
	[sflag:s9] =	ssyncadd.s32 $0xFFFFC000;
	p0 =	sne.s32 s15, $0x9E00  }
0x1f: {  	[spmem:s2] =	stream.indirect.scatter.add.f32 [tilespmem:s10], [sflag:$0x1], $0x80, s16, s13, $0xb8;
	[tilespmem:$0x1A400] =	vst v63  }
.Ltmp0:
0x20: {  	_ = 	snop;
	(pc) =	sbr.rel @p0 .LBB2_2-.Ltmp0, $4  }
0x21: {  	_ = 	snop  }
0x22: {  	s15 =	sadd.s32 $0x200, s15  }
0x23: {  	_ =	swait.ge [sflag:s9], $0x4000  }
0x24: {  	[sflag:s9] =	ssyncset.done $0x0  }
0x25: {  	s14 =	sadd.s32 $0x1, s14  }
0x26: {  	[sflag:s9] =	ssyncadd.s32 $0xFFFFC000;
	p0 =	sne.s32 s14, s8  }
.Ltmp1:
0x27: {  	[bflag:$0x0] =	sbarrier.arrive $0xFFFF;
	(pc) =	sbr.rel @p0 .LBB2_1-.Ltmp1, $4  }
0x28: {  	[hbm:s7], [sflag:s11] =	dma.local [spmem:s12], $0x2780  }
0x29: {  	_ =	swait.ge [sflag:s9], $0x2780  }
0x2a: {  	[sflag:s9] =	ssyncset.done $0x0  }
0x2b: {  	[sflag:s9] =	ssyncadd.s32 $0xFFFFD880  }
0x2c: {  	_ =	sfence.sel $0x180000  }
0x2d: {  	[bflag:$0x0] =	sbarrier.arrive $0xFFFF  }
0x2e: {  	p0 =	sne.s32 s0, $0x0;
	_ =	strace $0x90000047  }
0x2f: {  	s0 =	sadd.s32 @!p0 $0x100000, s1;
	[bflag:$0x2] =	sbarrier.arrive $0xFFFF  }
0x30: {  	[sflag:s0] =	ssyncadd.tile.s32 @!p0 $0x1;
	_ =	shalt  }
.Lfunc_end2:
_tile_overlayer_lowered:
.L_overlay_start_2:
0x31: {  	(tag) =	ssettag $0x2  }
0x32: {  	s0 =	rddreg [dreg:$0x0];
	s2 =	stileid.u32  }
0x33: {  	s1 =	rddreg [dreg:$0x1];
	p0 =	sne.s32 s2, $0x0  }
0x34: {  	s3 =	rddreg [dreg:$0x2];
	[bflag:$0x3] =	sbarrier.arrive $0xFFFF;
	s2 =	simm.s32 @!p0 $0x1C01  }
0x35: {  	[timem:s3], [sflag:s2] =	dma.local @!p0 [hbm:s0], s1  }
0x36: {  	s0 =	simm.s32 @!p0 $0x1  }
0x37: {  	_ =	swait.ge @!p0 [sflag:s0], s1  }
0x38: {  	s1 =	ssub.s32 @!p0 $0x0, s1;
	[sflag:s0] =	ssyncset.done @!p0 $0x0  }
0x39: {  	[sflag:s0] =	ssyncadd.s32 @!p0 s1  }
0x3a: {  	[bflag:$0x3] =	sbarrier.arrive $0xFFFF  }
0x3b: {  	_ =	shalt  }

// kernel: kernel.13.cloned.1.call-start
scs
__scs_entry_jumppad:
0x0: {  	(pc) =	sbr.rel $0x88, $3  }
0x1: {  	(tag) =	ssettag $0x0;
	lr =	simm.s32 $0x1  }
0x2: {  	[smem:$0x3F94] =	sst lr;
	_ =	strace $0xD0000000  }
0x3: {  	_ = 	snop  }
0x4: {  	_ = 	snop  }
0x5: {  	_ = 	snop  }
0x6: {  	_ = 	snop  }
0x7: {  	_ = 	snop  }
__scs_overlays_trampoline_lowered:
0x8: {  	[smem:$0x3FA3] =	sst s0  }
0x9: {  	[smem:$0x3FA4] =	sst s1  }
0xa: {  	[smem:$0x3FA5] =	sst s2  }
0xb: {  	[smem:$0x3FA6] =	sst s3  }
0xc: {  	[smem:$0x3FA7] =	sst s4  }
0xd: {  	[smem:$0x3FA8] =	sst s5  }
0xe: {  	[smem:$0x3FA9] =	sst s6  }
0xf: {  	[smem:$0x3FAA] =	sst s7  }
0x10: {  	[smem:$0x3FAB] =	sst s8  }
0x11: {  	[smem:$0x3FAC] =	sst s9;
	s0 =	simm.s32 @!p0 $0x0  }
0x12: {  	s1 =	sld [smem:$0x3F92];
	s0 =	simm.s32 @p0 $0x1  }
0x13: {  	[smem:$0x3FAD] =	sst s0;
	s0 =	simm.s32 @!p1 $0x0  }
0x14: {  	s2 =	sld [smem:$0x3F91];
	s0 =	simm.s32 @p1 $0x1  }
0x15: {  	[smem:$0x3FAE] =	sst s0;
	s0 =	simm.s32 @!p2 $0x0  }
0x16: {  	s3 =	sld [smem:$0x3FDB];
	s0 =	simm.s32 @p2 $0x1  }
0x17: {  	s4 =	simm.s32 $0x1BF5;
	[smem:$0x3FB0] =	sst s0  }
0x18: {  	s0 =	sld [smem:$0x3F93];
	_ =	swait.ge [sflag:s4], $0x0  }
0x19: {  	s7 =	sld [smem:$0x3F94]  }
0x1a: {  	s8 =	sadd.s32 $0xFFFFE003, lr  }
0x1b: {  	s9 =	sadd.s32 $0xFFFFFEF7, lr;
	s5 =	simm.s32 $0xFFFFFFFF;
	p2 =	slt.u32 s8, $0xFFFFF086  }
0x1c: {  	p1 =	slt.u32 s9, $0xF7A;
	s5 =	simm.s32 @!p2 $0x0  }
0x1d: {  	s5 =	simm.s32 @p1 $0x1;
	p0 =	seq.s32 s7, s2  }
0x1e: {  	s7 =	smul.u32 @!p0 $0xF7A, s2;
	p2 =	seq.s32 @!p0 s5, $0x0  }
0x1f: {  	s9 =	smul.u32 $0xF7A, s1;
	s8 =	simm.s32 @!p0 $0x1BF5;
	p2 =	por !p2, p0  }
0x20: {  	[sflag:s8] =	ssyncset.s32 @!p0 $0xFFFFF086;
	s6 =	sadd.s32 @!p0 s3, s7;
	s7 =	simm.s32 @!p0 $0x108  }
0x21: {  	s3 =	sadd.s32 s3, s9;
	s6 =	sadd.s32 @!p0 $0x88, s6;
	s7 =	simm.s32 @p2 $0x1082  }
0x22: {  	[simem:s7], [sflag:s8] =	dma.local @!p0 [hbm:s6], $0xF7A  }
0x23: {  	s9 =	sor.u32 $0xD0000000, s2;
	s6 =	simm.s32 $0x108;
	_ =	swait.ge @!p0 [sflag:s8], $0x0  }
0x24: {  	s3 =	sadd.s32 $0x88, s3;
	s6 =	simm.s32 @!p1 $0x1082;
	[sflag:s4] =	ssyncset.s32 $0xFFFFF086  }
0x25: {  	[simem:s6], [sflag:s4] =	dma.local [hbm:s3], $0xF7A  }
0x26: {  	[smem:$0x3F94] =	sst s1;
	(tag) =	ssettag s2;
	_ =	strace s9  }
0x27: {  	s1 =	sld [smem:$0x3FA4]  }
0x28: {  	s2 =	sld [smem:$0x3FA5]  }
0x29: {  	s4 =	sld [smem:$0x3FA7]  }
0x2a: {  	p0 =	seq.s32 s5, $0x0;
	s5 =	sld [smem:$0x3FA8]  }
0x2b: {  	s6 =	sld [smem:$0x3FA9]  }
0x2c: {  	s7 =	sld [smem:$0x3FAA]  }
0x2d: {  	s3 =	simm.s32 $0x108;
	s8 =	sld [smem:$0x3FAB]  }
0x2e: {  	s3 =	simm.s32 @!p0 $0x1082;
	s9 =	sld [smem:$0x3FAC]  }
0x2f: {  	lr =	sadd.s32 s0, s3;
	s0 =	sld [smem:$0x3FA3]  }
0x30: {  	s3 =	sld [smem:$0x3FA6]  }
0x31: {  	[smem:$0x3FAF] =	sst s10  }
0x32: {  	s10 =	sld [smem:$0x3FAD];
	_ =	sdelay $0x3  }
0x33: {  	p0 =	seq.s32 s10, $0x1;
	s10 =	sld [smem:$0x3FAF];
	_ =	sdelay $0x3  }
0x34: {  	[smem:$0x3FAF] =	sst s10  }
0x35: {  	s10 =	sld [smem:$0x3FAE];
	_ =	sdelay $0x3  }
0x36: {  	p1 =	seq.s32 s10, $0x1;
	s10 =	sld [smem:$0x3FAF];
	_ =	sdelay $0x3  }
0x37: {  	[smem:$0x3FAF] =	sst s10  }
0x38: {  	s10 =	sld [smem:$0x3FB0]  }
0x39: {  	_ = 	snop;
	(pc) =	sbr.ind lr, $3  }
0x3a: {  	_ = 	snop  }
0x3b: {  	_ = 	snop  }
0x3c: {  	p2 =	seq.s32 s10, $0x1;
	s10 =	sld [smem:$0x3FAF]  }
0x3d: {  	_ =	shalt  }
0x3e: {  	_ =	shalt  }
0x3f: {  	_ =	shalt  }
0x40: {  	_ =	shalt  }
0x41: {  	_ =	shalt  }
0x42: {  	_ =	shalt  }
0x43: {  	_ =	shalt  }
0x44: {  	_ =	shalt  }
0x45: {  	_ =	shalt  }
0x46: {  	_ =	shalt  }
0x47: {  	_ =	shalt  }
0x48: {  	_ =	shalt  }
0x49: {  	_ =	shalt  }
0x4a: {  	_ =	shalt  }
0x4b: {  	_ =	shalt  }
0x4c: {  	_ =	shalt  }
0x4d: {  	_ =	shalt  }
0x4e: {  	_ =	shalt  }
0x4f: {  	_ =	shalt  }
0x50: {  	_ =	shalt  }
0x51: {  	_ =	shalt  }
0x52: {  	_ =	shalt  }
0x53: {  	_ =	shalt  }
0x54: {  	_ =	shalt  }
0x55: {  	_ =	shalt  }
0x56: {  	_ =	shalt  }
0x57: {  	_ =	shalt  }
0x58: {  	_ =	shalt  }
0x59: {  	_ =	shalt  }
0x5a: {  	_ =	shalt  }
0x5b: {  	_ =	shalt  }
0x5c: {  	_ =	shalt  }
0x5d: {  	_ =	shalt  }
0x5e: {  	_ =	shalt  }
0x5f: {  	_ =	shalt  }
0x60: {  	_ =	shalt  }
0x61: {  	_ =	shalt  }
0x62: {  	_ =	shalt  }
0x63: {  	_ =	shalt  }
0x64: {  	_ =	shalt  }
0x65: {  	_ =	shalt  }
0x66: {  	_ =	shalt  }
0x67: {  	_ =	shalt  }
0x68: {  	_ =	shalt  }
0x69: {  	_ =	shalt  }
0x6a: {  	_ =	shalt  }
0x6b: {  	_ =	shalt  }
0x6c: {  	_ =	shalt  }
0x6d: {  	_ =	shalt  }
0x6e: {  	_ =	shalt  }
0x6f: {  	_ =	shalt  }
0x70: {  	_ =	shalt  }
0x71: {  	_ =	shalt  }
0x72: {  	_ =	shalt  }
0x73: {  	_ =	shalt  }
0x74: {  	_ =	shalt  }
0x75: {  	_ =	shalt  }
0x76: {  	_ =	shalt  }
0x77: {  	_ =	shalt  }
0x78: {  	_ =	shalt  }
0x79: {  	_ =	shalt  }
0x7a: {  	_ =	shalt  }
0x7b: {  	_ =	shalt  }
0x7c: {  	_ =	shalt  }
0x7d: {  	_ =	shalt  }
0x7e: {  	_ =	shalt  }
0x7f: {  	_ =	shalt  }
0x80: {  	_ =	shalt  }
0x81: {  	_ =	shalt  }
0x82: {  	_ =	shalt  }
0x83: {  	_ =	shalt  }
0x84: {  	_ =	shalt  }
0x85: {  	_ =	shalt  }
0x86: {  	_ =	shalt  }
0x87: {  	_ =	shalt  }
.Lfunc_end0:
.L_simem_size_0:
called_computation.1_lowered:
.L_overlay_start_0:
0x88: {  	s2 =	sld [smem:$0x3FD9]  }
0x89: {  	s3 =	sld [smem:$0x3FFE];
	_ =	sdelay $0x1  }
0x8a: {  	s1 =	srdreg.scid  }
0x8b: {  	s0 =	sand.u32 $0x1, s1  }
0x8c: {  	s16 =	sshll.u32 s0, $0xA;
	s2 =	sadd.s32 s3, s2  }
0x8d: {  	s2 =	sadd.s32 s2, s16  }
0x8e: {  	[smem:$0x3FBB] =	sst s2  }
0x8f: {  	_ = 	snop  }
0x90: {  	(tm) =	ssettm $0x1  }
0x91: {  	s17 =	sld [smem:$0x3FFB];
	_ =	sdelay $0x3  }
0x92: {  	_ =	strace s17  }
0x93: {  	s2 =	sld [smem:$0x3FFC];
	_ =	sdelay $0x3  }
0x94: {  	_ =	strace s2  }
0x95: {  	s2 =	sld [smem:$0x3FFD];
	_ =	sdelay $0x3  }
0x96: {  	_ =	strace s2  }
0x97: {  	_ =	strace $0x8FFFFFFF  }
0x98: {  	s18 =	sld [smem:$0x3FDB];
	_ =	sdelay $0x1  }
0x99: {  	s19 =	simm.s32 $_scs_section_size  }
0x9a: {  	s4 =	simm.s32 $_size__tile_overlayer_lowered;
	s5 =	simm.s32 $_tile_overlayer_lowered  }
0x9b: {  	s22 =	simm.s32 $0x1BFF;
	s21 =	sshll.u32 s5, $0x1;
	s2 =	sadd.s32 s19, s18  }
0x9c: {  	s6 =	simm.s32 $0x0;
	s20 =	sshll.u32 s4, $0x1;
	s4 =	sadd.s32 s21, s2  }
0x9d: {  	[timem:s6], [sflag:s22] =	dma.local [hbm:s4], s20  }
0x9e: {  	_ =	swait.ge [sflag:s22], s20  }
0x9f: {  	s3 =	ssub.s32 $0x0, s20;
	[sflag:s22] =	ssyncset.done $0x0  }
0xa0: {  	[sflag:s22] =	ssyncadd.s32 s3;
	_ =	sdelay $0x1  }
0xa1: {  	s23 =	simm.s32 $0x1B8B  }
0xa2: {  	_ =	swait.ge [sflag:s23], $0x1  }
0xa3: {  	[sflag:s23] =	ssyncset.done $0x0  }
0xa4: {  	s25 =	simm.s32 $0x1B8E;
	s24 =	sld [smem:$0x3FFE];
	[sflag:s23] =	ssyncadd.s32 $0xFFFFFFFF  }
0xa5: {  	s26 =	simm.s32 $execute0_lowered;
	[smem:$0x3FD2] =	sst s25  }
0xa6: {  	s4 =	sshll.u32 s26, $0x1;
	_ =	strace $0x80000049;
	[dreg:$0x1] =	wrdreg $0xFFFFFFFF  }
0xa7: {  	s28 =	simm.s32 $_size_execute0_lowered;
	s2 =	sadd.s32 s2, s4;
	[dreg:$0x0] =	wrdreg $0x0  }
0xa8: {  	s4 =	sshll.u32 s28, $0x1;
	[dreg:$0x2] =	wrdreg s2  }
0xa9: {  	[dreg:$0x3] =	wrdreg s4  }
0xaa: {  	[dreg:$0x4] =	wrdreg $0xC0  }
0xab: {  	_ =	task [dreg:s6], $0x5FFFF  }
0xac: {  	[dreg:$0x1] =	wrdreg $0xFFFFFFFF  }
0xad: {  	[dreg:$0x0] =	wrdreg $0x60  }
0xae: {  	[dreg:$0x2] =	wrdreg s24  }
0xaf: {  	[dreg:$0x3] =	wrdreg $0x78000  }
0xb0: {  	[dreg:$0x4] =	wrdreg $0x9  }
0xb1: {  	_ =	task.clear_ibuf [dreg:s6], $0x5FFFF;
	_ =	strace $0x90000049  }
0xb2: {  	s29 =	simm.s32 $0x9;
	_ =	strace $0x8000004B  }
0xb3: {  	_ =	swait.ge [sflag:s29], $0x1  }
0xb4: {  	[sflag:s29] =	ssyncadd.s32 $0xFFFFFFFF  }
0xb5: {  	_ =	strace $0x9000004B  }
0xb6: {  	_ =	sfence  }
0xb7: {  	s30 =	sld [smem:$0x0];
	_ =	sdelay $0x2  }
0xb8: {  	s31 =	sshll.u32 s1, $0xD;
	s1 =	sshrl.u32 s1, $0x2  }
0xb9: {  	s3 =	sand.u32 $0x4000, s31;
	s1 =	sadd.s32 s1, s30  }
0xba: {  	s0 =	sor.u32 s3, s0;
	s1 =	sshll.u32 s1, $0x11  }
0xbb: {  	s0 =	sor.u32 s1, s0  }
0xbc: {  	s0 =	sadd.s32 $0x8F2B, s0  }
0xbd: {  	[sflag:s0] =	ssyncadd.remote.s32 $0x1  }
0xbe: {  	_ =	sfence.sel $0xFFFF  }
0xbf: {  	[dreg:$0x0] =	wrdreg $0xFFFFFFFF;
	(pc) =	sbr.abs _section_cstart, $3  }
0xc0: {  	[dreg:$0x1] =	wrdreg $0xFFFFFFFF  }
0xc1: {  	_ =	task.clear_ibuf [dreg:s6], $0x2FFFF;
	_ =	strace $0x9FFFFFFF  }
0xc2: {  	(tm) =	ssettm $0x7FFFFFFF  }
0xc3: {  	_ =	shalt  }
tec
execute0_lowered:
.L_overlay_start_1:
0x0: {  	(tag) =	ssettag $0x1  }
0x1: {  	s6 =	rddreg [dreg:$0x0]  }
0x2: {  	s1 =	rddreg [dreg:$0x1]  }
0x3: {  	s0 =	rddreg [dreg:$0x2]  }
0x4: {  	s3 =	simm.s32 $0x0;
	s2 =	srdreg.scid;
	s16 =	simm.s32 $0x80  }
0x5: {  	s17 =	simm.s32 $0x3800;
	[smem:$0x7FF] =	sst s3;
	s19 =	sand.u32 $0x1, s2  }
0x6: {  	s18 =	simm.s32 $0x1;
	s2 =	stileid.u32;
	s7 =	smul.u32 $0x13C000, s19  }
0x7: {  	s4 =	sadd.s32 $0x6A200, s6;
	s9 =	sadd.s32 $0x4200, s6;
	s8 =	smul.u32 $0x13C00, s2  }
0x8: {  	s10 =	sadd.s32 $0xE200, s6;
	s5 =	sadd.s32 $0x18200, s6;
	s25 =	smul.u32 $0x68, s2  }
0x9: {  	_ =	strace $0x8000004A;
	s11 =	ssub.s32 $0x2, s19;
	s12 =	smul.u32 $0x38, s2  }
0xa: {  	s28 =	smul.u32 $0x4F000, s2;
	p0 =	seq.s32 s19, $0x0;
	s7 =	sadd.s32 s8, s7  }
0xb: {  	s30 =	sshll.u32 s2, $0x6;
	s26 =	sshrl.u32 s11, $0x1;
	s7 =	sshrl.u32 s7, $0x3  }
0xc: {  	s29 =	sshrl.u32 s28, $0x2;
	s13 =	sadd.s32 s7, s6;
	s6 =	sadd.s32 $0x380, s25  }
0xd: {  	s14 =	ssub.s32 s11, s26;
	s15 =	sadd.s32 s29, s1;
	s12 =	smov.u32 @p0 s6  }
.Ltmp0:
0xe: {  	s6 =	sor.u32 $0x1C02, s30;
	p0 =	sne.s32 s19, $0x0;
	(pc) =	sbr.rel .LBB2_1-.Ltmp0, $4  }
0xf: {  	s19 =	simm.s32 $0x0;
	s31 =	sshll.u32 s12, $0x4;
	s12 =	smax.u32 s14, $0x1  }
0x10: {  	s14 =	simm.s32 $0x2;
	s7 =	sadd.s32 s9, s31;
	s11 =	sadd.s32 $0x380, s31  }
0x11: {  	s8 =	sadd.s32 s10, s31;
	s9 =	sadd.s32 s9, s11;
	s10 =	sadd.s32 s10, s11  }
0x12: {  	s11 =	sadd.s32 $0x91400, s13;
	s13 =	sshrl.u32 s15, $0x3;
	s15 =	simm.s32 $0x1C00  }
.LBB2_6:
0x13: {  	s20 =	sshra.s32 s20, $0x2;
	[sflag:s14] =	ssyncadd.s32 $0xFFFFC000  }
0x14: {  	[tilespmem:s17], [sflag:$0x1] =	stream.indirect.gather [hbm4b:s4+s16], $0x80, s20, s16, $0xb8;
	[tilespmem:$0x1B400] =	vst v63  }
0x15: {  	_ =	swait.ge [sflag:s18], $0x4000  }
0x16: {  	[sflag:s18] =	ssyncset.done $0x0  }
0x17: {  	s20 =	sadd.s32 $0x1C00, s20;
	[sflag:s18] =	ssyncadd.s32 $0xFFFFC000  }
0x18: {  	[spmem:s1] =	stream.indirect.scatter.add.f32 [tilespmem:s17], [sflag:$0x2], $0x80, s20, s16, $0xb8;
	[tilespmem:$0x1B400] =	vst v63  }
0x19: {  	_ =	swait.ge [sflag:s14], $0x4000  }
0x1a: {  	[sflag:s14] =	ssyncset.done $0x0  }
0x1b: {  	[sflag:s14] =	ssyncadd.s32 $0xFFFFC000  }
.LBB2_7:
0x1c: {  	s19 =	sadd.s32 $0x1, s19  }
0x1d: {  	p1 =	sne.s32 s19, s12  }
.Ltmp1:
0x1e: {  	[bflag:$0x0] =	sbarrier.arrive $0xFFFF;
	(pc) =	sbr.rel @!p1 .LBB2_8-.Ltmp1, $4  }
0x1f: {  	[hbm:s11], [sflag:s6] =	dma.local [spmem:s13], $0x2780  }
0x20: {  	_ =	swait.ge [sflag:s14], $0x2780  }
0x21: {  	[sflag:s14] =	ssyncset.done $0x0  }
0x22: {  	[sflag:s14] =	ssyncadd.s32 $0xFFFFD880  }
.LBB2_1:
0x23: {  	[spmem:s13], [sflag:s6] =	dma.local [hbm:s5], $0x2780  }
0x24: {  	_ =	swait.ge [sflag:s14], $0x2780  }
0x25: {  	[sflag:s14] =	ssyncset.done $0x0  }
0x26: {  	[sflag:s14] =	ssyncadd.s32 $0xFFFFD880  }
0x27: {  	[bflag:$0x0] =	sbarrier.arrive $0xFFFF  }
0x28: {  	[tilespmem:s3], [sflag:$0x2] =	stream.linear.gather [hbm4b:s7+s3], $0x1C00, $0x38;
	[tilespmem:$0x1B400] =	vst v63  }
0x29: {  	_ =	swait.ge [sflag:s14], $0x1C00  }
0x2a: {  	[sflag:s14] =	ssyncset.done $0x0  }
0x2b: {  	[sflag:s14] =	ssyncadd.s32 $0xFFFFE400  }
0x2c: {  	[tilespmem:s15], [sflag:$0x2] =	stream.linear.gather [hbm4b:s8+s3], $0x1C00, $0x38;
	[tilespmem:$0x1B400] =	vst v63  }
0x2d: {  	_ =	swait.ge [sflag:s14], $0x1C00  }
0x2e: {  	[sflag:s14] =	ssyncset.done $0x0  }
0x2f: {  	s20 =	simm.s32 $0x0;
	[sflag:s14] =	ssyncadd.s32 $0xFFFFE400  }
0x30: {  	[tilespmem:s17], [sflag:$0x1] =	stream.indirect.gather [hbm4b:s4+s16], $0x80, s20, s16, $0xb8;
	[tilespmem:$0x1B400] =	vst v63  }
0x31: {  	_ =	swait.ge [sflag:s18], $0x4000  }
0x32: {  	[sflag:s18] =	ssyncset.done $0x0  }
0x33: {  	s31 =	simm.s32 $0x1C00;
	[sflag:s18] =	ssyncadd.s32 $0xFFFFC000  }
0x34: {  	[spmem:s1] =	stream.indirect.scatter.add.f32 [tilespmem:s17], [sflag:$0x2], $0x80, s31, s16, $0xb8;
	[tilespmem:$0x1B400] =	vst v63  }
0x35: {  	_ =	swait.ge [sflag:s14], $0x4000  }
0x36: {  	s21 =	simm.s32 $0x400;
	s20 =	simm.s32 $0x200;
	[sflag:s14] =	ssyncset.done $0x0  }
.LBB2_2:
0x37: {  	s22 =	sshra.s32 s20, $0x2  }
0x38: {  	[sflag:s14] =	ssyncadd.s32 $0xFFFFC000;
	s20 =	smov.u32 s21;
	s23 =	sadd.s32 $0x200, s21  }
0x39: {  	[tilespmem:s17], [sflag:$0x1] =	stream.indirect.gather [hbm4b:s4+s16], $0x80, s22, s16, $0xb8;
	[tilespmem:$0x1B400] =	vst v63  }
0x3a: {  	p1 =	sne.s32 s21, $0x6E00;
	_ =	swait.ge [sflag:s18], $0x4000  }
.Ltmp2:
0x3b: {  	[sflag:s18] =	ssyncset.done $0x0;
	(pc) =	sbr.rel @p1 .LBB2_2-.Ltmp2, $4  }
0x3c: {  	s21 =	sadd.s32 $0x1C00, s22;
	[sflag:s18] =	ssyncadd.s32 $0xFFFFC000  }
0x3d: {  	[spmem:s1] =	stream.indirect.scatter.add.f32 [tilespmem:s17], [sflag:$0x2], $0x80, s21, s16, $0xb8;
	[tilespmem:$0x1B400] =	vst v63  }
0x3e: {  	_ =	swait.ge [sflag:s14], $0x4000  }
0x3f: {  	s21 =	smov.u32 s23;
	[sflag:s14] =	ssyncset.done $0x0  }
0x40: {  	s20 =	sshra.s32 s20, $0x2;
	[sflag:s14] =	ssyncadd.s32 $0xFFFFC000  }
0x41: {  	[tilespmem:s17], [sflag:$0x1] =	stream.indirect.gather [hbm4b:s4+s16], $0x80, s20, s16, $0xb8;
	[tilespmem:$0x1B400] =	vst v63  }
0x42: {  	_ =	swait.ge [sflag:s18], $0x4000  }
0x43: {  	[sflag:s18] =	ssyncset.done $0x0  }
0x44: {  	s20 =	sadd.s32 $0x1C00, s20;
	[sflag:s18] =	ssyncadd.s32 $0xFFFFC000  }
0x45: {  	[spmem:s1] =	stream.indirect.scatter.add.f32 [tilespmem:s17], [sflag:$0x2], $0x80, s20, s16, $0xb8;
	[tilespmem:$0x1B400] =	vst v63  }
0x46: {  	_ =	swait.ge [sflag:s14], $0x4000  }
0x47: {  	[sflag:s14] =	ssyncset.done $0x0  }
0x48: {  	s31 =	simm.s32 $0x0;
	[sflag:s14] =	ssyncadd.s32 $0xFFFFC000  }
0x49: {  	[tilespmem:s31], [sflag:$0x2] =	stream.linear.gather [hbm4b:s9+s31], $0x1800, $0x38;
	[tilespmem:$0x1B400] =	vst v63  }
0x4a: {  	_ =	swait.ge [sflag:s14], $0x1800  }
0x4b: {  	[sflag:s14] =	ssyncset.done $0x0  }
.Ltmp3:
0x4c: {  	[sflag:s14] =	ssyncadd.s32 $0xFFFFE800;
	(pc) =	sbr.rel @p0 .LBB2_7-.Ltmp3, $4  }
0x4d: {  	[tilespmem:s15], [sflag:$0x2] =	stream.linear.gather [hbm4b:s10+s31], $0x1800, $0x38;
	[tilespmem:$0x1B400] =	vst v63  }
0x4e: {  	_ =	swait.ge [sflag:s14], $0x1800  }
0x4f: {  	[sflag:s14] =	ssyncset.done $0x0  }
0x50: {  	[sflag:s14] =	ssyncadd.s32 $0xFFFFE800  }
0x51: {  	s20 =	simm.s32 $0x0  }
0x52: {  	[tilespmem:s17], [sflag:$0x1] =	stream.indirect.gather [hbm4b:s4+s16], $0x80, s20, s16, $0xb8;
	[tilespmem:$0x1B400] =	vst v63  }
0x53: {  	_ =	swait.ge [sflag:s18], $0x4000  }
0x54: {  	[sflag:s18] =	ssyncset.done $0x0  }
0x55: {  	s31 =	simm.s32 $0x1C00;
	[sflag:s18] =	ssyncadd.s32 $0xFFFFC000  }
0x56: {  	[spmem:s1] =	stream.indirect.scatter.add.f32 [tilespmem:s17], [sflag:$0x2], $0x80, s31, s16, $0xb8;
	[tilespmem:$0x1B400] =	vst v63  }
0x57: {  	_ =	swait.ge [sflag:s14], $0x4000  }
0x58: {  	s21 =	simm.s32 $0x400;
	s20 =	simm.s32 $0x200;
	[sflag:s14] =	ssyncset.done $0x0  }
.LBB2_5:
0x59: {  	s22 =	sshra.s32 s20, $0x2  }
0x5a: {  	[sflag:s14] =	ssyncadd.s32 $0xFFFFC000;
	s20 =	smov.u32 s21;
	s23 =	sadd.s32 $0x200, s21  }
0x5b: {  	[tilespmem:s17], [sflag:$0x1] =	stream.indirect.gather [hbm4b:s4+s16], $0x80, s22, s16, $0xb8;
	[tilespmem:$0x1B400] =	vst v63  }
0x5c: {  	p1 =	sne.s32 s21, $0x5E00;
	_ =	swait.ge [sflag:s18], $0x4000  }
.Ltmp4:
0x5d: {  	[sflag:s18] =	ssyncset.done $0x0;
	(pc) =	sbr.rel @p1 .LBB2_5-.Ltmp4, $4  }
0x5e: {  	s21 =	sadd.s32 $0x1C00, s22;
	[sflag:s18] =	ssyncadd.s32 $0xFFFFC000  }
0x5f: {  	[spmem:s1] =	stream.indirect.scatter.add.f32 [tilespmem:s17], [sflag:$0x2], $0x80, s21, s16, $0xb8;
	[tilespmem:$0x1B400] =	vst v63  }
0x60: {  	_ =	swait.ge [sflag:s14], $0x4000  }
0x61: {  	s21 =	smov.u32 s23;
	[sflag:s14] =	ssyncset.done $0x0  }
.Ltmp5:
0x62: {  	_ = 	snop;
	(pc) =	sbr.rel .LBB2_6-.Ltmp5, $1  }
0x63: {  	_ =	sdelay $0x3  }
.LBB2_8:
0x64: {  	_ =	sfence.sel $0x180000  }
0x65: {  	[bflag:$0x0] =	sbarrier.arrive $0xFFFF  }
0x66: {  	p0 =	sne.s32 s2, $0x0;
	_ =	strace $0x9000004A  }
0x67: {  	s0 =	sadd.s32 @!p0 $0x100000, s0;
	[bflag:$0x2] =	sbarrier.arrive $0xFFFF  }
0x68: {  	[sflag:s0] =	ssyncadd.tile.s32 @!p0 $0x1;
	_ =	shalt  }
.Lfunc_end2:
_tile_overlayer_lowered:
.L_overlay_start_2:
0x69: {  	(tag) =	ssettag $0x2  }
0x6a: {  	s0 =	rddreg [dreg:$0x0];
	s2 =	stileid.u32  }
0x6b: {  	s1 =	rddreg [dreg:$0x1];
	p0 =	sne.s32 s2, $0x0  }
0x6c: {  	s3 =	rddreg [dreg:$0x2];
	[bflag:$0x3] =	sbarrier.arrive $0xFFFF;
	s2 =	simm.s32 @!p0 $0x1C02  }
0x6d: {  	[timem:s3], [sflag:s2] =	dma.local @!p0 [hbm:s0], s1  }
0x6e: {  	s0 =	simm.s32 @!p0 $0x2  }
0x6f: {  	_ =	swait.ge @!p0 [sflag:s0], s1  }
0x70: {  	s1 =	ssub.s32 @!p0 $0x0, s1;
	[sflag:s0] =	ssyncset.done @!p0 $0x0  }
0x71: {  	[sflag:s0] =	ssyncadd.s32 @!p0 s1  }
0x72: {  	[bflag:$0x3] =	sbarrier.arrive $0xFFFF  }
0x73: {  	_ =	shalt  }

// kernel: kernel.16.cloned.1.call-start
scs
__scs_entry_jumppad:
0x0: {  	(pc) =	sbr.rel $0x88, $3  }
0x1: {  	(tag) =	ssettag $0x0;
	lr =	simm.s32 $0x1  }
0x2: {  	[smem:$0x3F94] =	sst lr;
	_ =	strace $0xD0000000  }
0x3: {  	_ = 	snop  }
0x4: {  	_ = 	snop  }
0x5: {  	_ = 	snop  }
0x6: {  	_ = 	snop  }
0x7: {  	_ = 	snop  }
__scs_overlays_trampoline_lowered:
0x8: {  	[smem:$0x3FA3] =	sst s0  }
0x9: {  	[smem:$0x3FA4] =	sst s1  }
0xa: {  	[smem:$0x3FA5] =	sst s2  }
0xb: {  	[smem:$0x3FA6] =	sst s3  }
0xc: {  	[smem:$0x3FA7] =	sst s4  }
0xd: {  	[smem:$0x3FA8] =	sst s5  }
0xe: {  	[smem:$0x3FA9] =	sst s6  }
0xf: {  	[smem:$0x3FAA] =	sst s7  }
0x10: {  	[smem:$0x3FAB] =	sst s8  }
0x11: {  	[smem:$0x3FAC] =	sst s9;
	s0 =	simm.s32 @!p0 $0x0  }
0x12: {  	s1 =	sld [smem:$0x3F92];
	s0 =	simm.s32 @p0 $0x1  }
0x13: {  	[smem:$0x3FAD] =	sst s0;
	s0 =	simm.s32 @!p1 $0x0  }
0x14: {  	s2 =	sld [smem:$0x3F91];
	s0 =	simm.s32 @p1 $0x1  }
0x15: {  	[smem:$0x3FAE] =	sst s0;
	s0 =	simm.s32 @!p2 $0x0  }
0x16: {  	s3 =	sld [smem:$0x3FDB];
	s0 =	simm.s32 @p2 $0x1  }
0x17: {  	s4 =	simm.s32 $0x1BF5;
	[smem:$0x3FB0] =	sst s0  }
0x18: {  	s0 =	sld [smem:$0x3F93];
	_ =	swait.ge [sflag:s4], $0x0  }
0x19: {  	s7 =	sld [smem:$0x3F94]  }
0x1a: {  	s8 =	sadd.s32 $0xFFFFE003, lr  }
0x1b: {  	s9 =	sadd.s32 $0xFFFFFEF7, lr;
	s5 =	simm.s32 $0xFFFFFFFF;
	p2 =	slt.u32 s8, $0xFFFFF086  }
0x1c: {  	p1 =	slt.u32 s9, $0xF7A;
	s5 =	simm.s32 @!p2 $0x0  }
0x1d: {  	s5 =	simm.s32 @p1 $0x1;
	p0 =	seq.s32 s7, s2  }
0x1e: {  	s7 =	smul.u32 @!p0 $0xF7A, s2;
	p2 =	seq.s32 @!p0 s5, $0x0  }
0x1f: {  	s9 =	smul.u32 $0xF7A, s1;
	s8 =	simm.s32 @!p0 $0x1BF5;
	p2 =	por !p2, p0  }
0x20: {  	[sflag:s8] =	ssyncset.s32 @!p0 $0xFFFFF086;
	s6 =	sadd.s32 @!p0 s3, s7;
	s7 =	simm.s32 @!p0 $0x108  }
0x21: {  	s3 =	sadd.s32 s3, s9;
	s6 =	sadd.s32 @!p0 $0x88, s6;
	s7 =	simm.s32 @p2 $0x1082  }
0x22: {  	[simem:s7], [sflag:s8] =	dma.local @!p0 [hbm:s6], $0xF7A  }
0x23: {  	s9 =	sor.u32 $0xD0000000, s2;
	s6 =	simm.s32 $0x108;
	_ =	swait.ge @!p0 [sflag:s8], $0x0  }
0x24: {  	s3 =	sadd.s32 $0x88, s3;
	s6 =	simm.s32 @!p1 $0x1082;
	[sflag:s4] =	ssyncset.s32 $0xFFFFF086  }
0x25: {  	[simem:s6], [sflag:s4] =	dma.local [hbm:s3], $0xF7A  }
0x26: {  	[smem:$0x3F94] =	sst s1;
	(tag) =	ssettag s2;
	_ =	strace s9  }
0x27: {  	s1 =	sld [smem:$0x3FA4]  }
0x28: {  	s2 =	sld [smem:$0x3FA5]  }
0x29: {  	s4 =	sld [smem:$0x3FA7]  }
0x2a: {  	p0 =	seq.s32 s5, $0x0;
	s5 =	sld [smem:$0x3FA8]  }
0x2b: {  	s6 =	sld [smem:$0x3FA9]  }
0x2c: {  	s7 =	sld [smem:$0x3FAA]  }
0x2d: {  	s3 =	simm.s32 $0x108;
	s8 =	sld [smem:$0x3FAB]  }
0x2e: {  	s3 =	simm.s32 @!p0 $0x1082;
	s9 =	sld [smem:$0x3FAC]  }
0x2f: {  	lr =	sadd.s32 s0, s3;
	s0 =	sld [smem:$0x3FA3]  }
0x30: {  	s3 =	sld [smem:$0x3FA6]  }
0x31: {  	[smem:$0x3FAF] =	sst s10  }
0x32: {  	s10 =	sld [smem:$0x3FAD];
	_ =	sdelay $0x3  }
0x33: {  	p0 =	seq.s32 s10, $0x1;
	s10 =	sld [smem:$0x3FAF];
	_ =	sdelay $0x3  }
0x34: {  	[smem:$0x3FAF] =	sst s10  }
0x35: {  	s10 =	sld [smem:$0x3FAE];
	_ =	sdelay $0x3  }
0x36: {  	p1 =	seq.s32 s10, $0x1;
	s10 =	sld [smem:$0x3FAF];
	_ =	sdelay $0x3  }
0x37: {  	[smem:$0x3FAF] =	sst s10  }
0x38: {  	s10 =	sld [smem:$0x3FB0]  }
0x39: {  	_ = 	snop;
	(pc) =	sbr.ind lr, $3  }
0x3a: {  	_ = 	snop  }
0x3b: {  	_ = 	snop  }
0x3c: {  	p2 =	seq.s32 s10, $0x1;
	s10 =	sld [smem:$0x3FAF]  }
0x3d: {  	_ =	shalt  }
0x3e: {  	_ =	shalt  }
0x3f: {  	_ =	shalt  }
0x40: {  	_ =	shalt  }
0x41: {  	_ =	shalt  }
0x42: {  	_ =	shalt  }
0x43: {  	_ =	shalt  }
0x44: {  	_ =	shalt  }
0x45: {  	_ =	shalt  }
0x46: {  	_ =	shalt  }
0x47: {  	_ =	shalt  }
0x48: {  	_ =	shalt  }
0x49: {  	_ =	shalt  }
0x4a: {  	_ =	shalt  }
0x4b: {  	_ =	shalt  }
0x4c: {  	_ =	shalt  }
0x4d: {  	_ =	shalt  }
0x4e: {  	_ =	shalt  }
0x4f: {  	_ =	shalt  }
0x50: {  	_ =	shalt  }
0x51: {  	_ =	shalt  }
0x52: {  	_ =	shalt  }
0x53: {  	_ =	shalt  }
0x54: {  	_ =	shalt  }
0x55: {  	_ =	shalt  }
0x56: {  	_ =	shalt  }
0x57: {  	_ =	shalt  }
0x58: {  	_ =	shalt  }
0x59: {  	_ =	shalt  }
0x5a: {  	_ =	shalt  }
0x5b: {  	_ =	shalt  }
0x5c: {  	_ =	shalt  }
0x5d: {  	_ =	shalt  }
0x5e: {  	_ =	shalt  }
0x5f: {  	_ =	shalt  }
0x60: {  	_ =	shalt  }
0x61: {  	_ =	shalt  }
0x62: {  	_ =	shalt  }
0x63: {  	_ =	shalt  }
0x64: {  	_ =	shalt  }
0x65: {  	_ =	shalt  }
0x66: {  	_ =	shalt  }
0x67: {  	_ =	shalt  }
0x68: {  	_ =	shalt  }
0x69: {  	_ =	shalt  }
0x6a: {  	_ =	shalt  }
0x6b: {  	_ =	shalt  }
0x6c: {  	_ =	shalt  }
0x6d: {  	_ =	shalt  }
0x6e: {  	_ =	shalt  }
0x6f: {  	_ =	shalt  }
0x70: {  	_ =	shalt  }
0x71: {  	_ =	shalt  }
0x72: {  	_ =	shalt  }
0x73: {  	_ =	shalt  }
0x74: {  	_ =	shalt  }
0x75: {  	_ =	shalt  }
0x76: {  	_ =	shalt  }
0x77: {  	_ =	shalt  }
0x78: {  	_ =	shalt  }
0x79: {  	_ =	shalt  }
0x7a: {  	_ =	shalt  }
0x7b: {  	_ =	shalt  }
0x7c: {  	_ =	shalt  }
0x7d: {  	_ =	shalt  }
0x7e: {  	_ =	shalt  }
0x7f: {  	_ =	shalt  }
0x80: {  	_ =	shalt  }
0x81: {  	_ =	shalt  }
0x82: {  	_ =	shalt  }
0x83: {  	_ =	shalt  }
0x84: {  	_ =	shalt  }
0x85: {  	_ =	shalt  }
0x86: {  	_ =	shalt  }
0x87: {  	_ =	shalt  }
.Lfunc_end0:
.L_simem_size_0:
called_computation.2_lowered:
.L_overlay_start_0:
0x88: {  	s2 =	sld [smem:$0x3FD9]  }
0x89: {  	s3 =	sld [smem:$0x3FFE];
	_ =	sdelay $0x1  }
0x8a: {  	s1 =	srdreg.scid  }
0x8b: {  	s0 =	sand.u32 $0x1, s1  }
0x8c: {  	s16 =	sshll.u32 s0, $0xA;
	s2 =	sadd.s32 s3, s2  }
0x8d: {  	s2 =	sadd.s32 s2, s16  }
0x8e: {  	[smem:$0x3FBB] =	sst s2  }
0x8f: {  	_ = 	snop  }
0x90: {  	(tm) =	ssettm $0x1  }
0x91: {  	s17 =	sld [smem:$0x3FFB];
	_ =	sdelay $0x3  }
0x92: {  	_ =	strace s17  }
0x93: {  	s2 =	sld [smem:$0x3FFC];
	_ =	sdelay $0x3  }
0x94: {  	_ =	strace s2  }
0x95: {  	s2 =	sld [smem:$0x3FFD];
	_ =	sdelay $0x3  }
0x96: {  	_ =	strace s2  }
0x97: {  	_ =	strace $0x8FFFFFFF  }
0x98: {  	s18 =	sld [smem:$0x3FDB];
	_ =	sdelay $0x1  }
0x99: {  	s19 =	simm.s32 $_scs_section_size  }
0x9a: {  	s4 =	simm.s32 $_size__tile_overlayer_lowered;
	s5 =	simm.s32 $_tile_overlayer_lowered  }
0x9b: {  	s22 =	simm.s32 $0x1BFF;
	s21 =	sshll.u32 s5, $0x1;
	s2 =	sadd.s32 s19, s18  }
0x9c: {  	s6 =	simm.s32 $0x0;
	s20 =	sshll.u32 s4, $0x1;
	s4 =	sadd.s32 s21, s2  }
0x9d: {  	[timem:s6], [sflag:s22] =	dma.local [hbm:s4], s20  }
0x9e: {  	_ =	swait.ge [sflag:s22], s20  }
0x9f: {  	s3 =	ssub.s32 $0x0, s20;
	[sflag:s22] =	ssyncset.done $0x0  }
0xa0: {  	[sflag:s22] =	ssyncadd.s32 s3;
	_ =	sdelay $0x1  }
0xa1: {  	s23 =	simm.s32 $0x1B8B  }
0xa2: {  	_ =	swait.ge [sflag:s23], $0x1  }
0xa3: {  	[sflag:s23] =	ssyncset.done $0x0  }
0xa4: {  	s25 =	simm.s32 $0x1B8E;
	s24 =	sld [smem:$0x3FFE];
	[sflag:s23] =	ssyncadd.s32 $0xFFFFFFFF  }
0xa5: {  	s26 =	simm.s32 $execute0_lowered;
	[smem:$0x3FD2] =	sst s25  }
0xa6: {  	s4 =	sshll.u32 s26, $0x1;
	_ =	strace $0x8000004C;
	[dreg:$0x1] =	wrdreg $0xFFFFFFFF  }
0xa7: {  	s28 =	simm.s32 $_size_execute0_lowered;
	s2 =	sadd.s32 s2, s4;
	[dreg:$0x0] =	wrdreg $0x0  }
0xa8: {  	s4 =	sshll.u32 s28, $0x1;
	[dreg:$0x2] =	wrdreg s2  }
0xa9: {  	[dreg:$0x3] =	wrdreg s4  }
0xaa: {  	[dreg:$0x4] =	wrdreg $0xC0  }
0xab: {  	_ =	task [dreg:s6], $0x5FFFF  }
0xac: {  	[dreg:$0x1] =	wrdreg $0xFFFFFFFF  }
0xad: {  	[dreg:$0x0] =	wrdreg $0x60  }
0xae: {  	[dreg:$0x2] =	wrdreg s24  }
0xaf: {  	[dreg:$0x3] =	wrdreg $0x78000  }
0xb0: {  	[dreg:$0x4] =	wrdreg $0x9  }
0xb1: {  	_ =	task.clear_ibuf [dreg:s6], $0x5FFFF;
	_ =	strace $0x9000004C  }
0xb2: {  	s29 =	simm.s32 $0x9;
	_ =	strace $0x8000004E  }
0xb3: {  	_ =	swait.ge [sflag:s29], $0x1  }
0xb4: {  	[sflag:s29] =	ssyncadd.s32 $0xFFFFFFFF  }
0xb5: {  	_ =	strace $0x9000004E  }
0xb6: {  	_ =	sfence  }
0xb7: {  	s30 =	sld [smem:$0x0];
	_ =	sdelay $0x2  }
0xb8: {  	s31 =	sshll.u32 s1, $0xD;
	s1 =	sshrl.u32 s1, $0x2  }
0xb9: {  	s3 =	sand.u32 $0x4000, s31;
	s1 =	sadd.s32 s1, s30  }
0xba: {  	s0 =	sor.u32 s3, s0;
	s1 =	sshll.u32 s1, $0x11  }
0xbb: {  	s0 =	sor.u32 s1, s0  }
0xbc: {  	s0 =	sadd.s32 $0x8F2B, s0  }
0xbd: {  	[sflag:s0] =	ssyncadd.remote.s32 $0x1  }
0xbe: {  	_ =	sfence.sel $0xFFFF  }
0xbf: {  	[dreg:$0x0] =	wrdreg $0xFFFFFFFF;
	(pc) =	sbr.abs _section_cstart, $3  }
0xc0: {  	[dreg:$0x1] =	wrdreg $0xFFFFFFFF  }
0xc1: {  	_ =	task.clear_ibuf [dreg:s6], $0x2FFFF;
	_ =	strace $0x9FFFFFFF  }
0xc2: {  	(tm) =	ssettm $0x7FFFFFFF  }
0xc3: {  	_ =	shalt  }
tec
execute0_lowered:
.L_overlay_start_1:
0x0: {  	(tag) =	ssettag $0x1  }
0x1: {  	s6 =	rddreg [dreg:$0x0]  }
0x2: {  	s1 =	rddreg [dreg:$0x1]  }
0x3: {  	s0 =	rddreg [dreg:$0x2]  }
0x4: {  	s3 =	simm.s32 $0x0;
	s2 =	srdreg.scid;
	s16 =	simm.s32 $0x80  }
0x5: {  	s17 =	simm.s32 $0x3800;
	[smem:$0x7FF] =	sst s3;
	s19 =	sand.u32 $0x1, s2  }
0x6: {  	s18 =	simm.s32 $0x1;
	s2 =	stileid.u32;
	s7 =	smul.u32 $0x13C000, s19  }
0x7: {  	s4 =	sadd.s32 $0x6A200, s6;
	s9 =	sadd.s32 $0x4200, s6;
	s8 =	smul.u32 $0x13C00, s2  }
0x8: {  	s10 =	sadd.s32 $0xE200, s6;
	s5 =	sadd.s32 $0x18200, s6;
	s25 =	smul.u32 $0x68, s2  }
0x9: {  	_ =	strace $0x8000004D;
	s11 =	ssub.s32 $0x2, s19;
	s12 =	smul.u32 $0x38, s2  }
0xa: {  	s28 =	smul.u32 $0x4F000, s2;
	p0 =	seq.s32 s19, $0x0;
	s7 =	sadd.s32 s8, s7  }
0xb: {  	s30 =	sshll.u32 s2, $0x6;
	s26 =	sshrl.u32 s11, $0x1;
	s7 =	sshrl.u32 s7, $0x3  }
0xc: {  	s29 =	sshrl.u32 s28, $0x2;
	s13 =	sadd.s32 s7, s6;
	s6 =	sadd.s32 $0x380, s25  }
0xd: {  	s14 =	ssub.s32 s11, s26;
	s15 =	sadd.s32 s29, s1;
	s12 =	smov.u32 @p0 s6  }
.Ltmp0:
0xe: {  	s6 =	sor.u32 $0x1C02, s30;
	p0 =	sne.s32 s19, $0x0;
	(pc) =	sbr.rel .LBB2_1-.Ltmp0, $4  }
0xf: {  	s19 =	simm.s32 $0x0;
	s31 =	sshll.u32 s12, $0x4;
	s12 =	smax.u32 s14, $0x1  }
0x10: {  	s14 =	simm.s32 $0x2;
	s7 =	sadd.s32 s9, s31;
	s11 =	sadd.s32 $0x380, s31  }
0x11: {  	s8 =	sadd.s32 s10, s31;
	s9 =	sadd.s32 s9, s11;
	s10 =	sadd.s32 s10, s11  }
0x12: {  	s11 =	sadd.s32 $0x91400, s13;
	s13 =	sshrl.u32 s15, $0x3;
	s15 =	simm.s32 $0x1C00  }
.LBB2_6:
0x13: {  	s20 =	sshra.s32 s20, $0x2;
	[sflag:s14] =	ssyncadd.s32 $0xFFFFC000  }
0x14: {  	[tilespmem:s17], [sflag:$0x1] =	stream.indirect.gather [hbm4b:s4+s16], $0x80, s20, s16, $0xb8;
	[tilespmem:$0x1B400] =	vst v63  }
0x15: {  	_ =	swait.ge [sflag:s18], $0x4000  }
0x16: {  	[sflag:s18] =	ssyncset.done $0x0  }
0x17: {  	s20 =	sadd.s32 $0x1C00, s20;
	[sflag:s18] =	ssyncadd.s32 $0xFFFFC000  }
0x18: {  	[spmem:s1] =	stream.indirect.scatter.add.f32 [tilespmem:s17], [sflag:$0x2], $0x80, s20, s16, $0xb8;
	[tilespmem:$0x1B400] =	vst v63  }
0x19: {  	_ =	swait.ge [sflag:s14], $0x4000  }
0x1a: {  	[sflag:s14] =	ssyncset.done $0x0  }
0x1b: {  	[sflag:s14] =	ssyncadd.s32 $0xFFFFC000  }
.LBB2_7:
0x1c: {  	s19 =	sadd.s32 $0x1, s19  }
0x1d: {  	p1 =	sne.s32 s19, s12  }
.Ltmp1:
0x1e: {  	[bflag:$0x0] =	sbarrier.arrive $0xFFFF;
	(pc) =	sbr.rel @!p1 .LBB2_8-.Ltmp1, $4  }
0x1f: {  	[hbm:s11], [sflag:s6] =	dma.local [spmem:s13], $0x2780  }
0x20: {  	_ =	swait.ge [sflag:s14], $0x2780  }
0x21: {  	[sflag:s14] =	ssyncset.done $0x0  }
0x22: {  	[sflag:s14] =	ssyncadd.s32 $0xFFFFD880  }
.LBB2_1:
0x23: {  	[spmem:s13], [sflag:s6] =	dma.local [hbm:s5], $0x2780  }
0x24: {  	_ =	swait.ge [sflag:s14], $0x2780  }
0x25: {  	[sflag:s14] =	ssyncset.done $0x0  }
0x26: {  	[sflag:s14] =	ssyncadd.s32 $0xFFFFD880  }
0x27: {  	[bflag:$0x0] =	sbarrier.arrive $0xFFFF  }
0x28: {  	[tilespmem:s3], [sflag:$0x2] =	stream.linear.gather [hbm4b:s7+s3], $0x1C00, $0x38;
	[tilespmem:$0x1B400] =	vst v63  }
0x29: {  	_ =	swait.ge [sflag:s14], $0x1C00  }
0x2a: {  	[sflag:s14] =	ssyncset.done $0x0  }
0x2b: {  	[sflag:s14] =	ssyncadd.s32 $0xFFFFE400  }
0x2c: {  	[tilespmem:s15], [sflag:$0x2] =	stream.linear.gather [hbm4b:s8+s3], $0x1C00, $0x38;
	[tilespmem:$0x1B400] =	vst v63  }
0x2d: {  	_ =	swait.ge [sflag:s14], $0x1C00  }
0x2e: {  	[sflag:s14] =	ssyncset.done $0x0  }
0x2f: {  	s20 =	simm.s32 $0x0;
	[sflag:s14] =	ssyncadd.s32 $0xFFFFE400  }
0x30: {  	[tilespmem:s17], [sflag:$0x1] =	stream.indirect.gather [hbm4b:s4+s16], $0x80, s20, s16, $0xb8;
	[tilespmem:$0x1B400] =	vst v63  }
0x31: {  	_ =	swait.ge [sflag:s18], $0x4000  }
0x32: {  	[sflag:s18] =	ssyncset.done $0x0  }
0x33: {  	s31 =	simm.s32 $0x1C00;
	[sflag:s18] =	ssyncadd.s32 $0xFFFFC000  }
0x34: {  	[spmem:s1] =	stream.indirect.scatter.add.f32 [tilespmem:s17], [sflag:$0x2], $0x80, s31, s16, $0xb8;
	[tilespmem:$0x1B400] =	vst v63  }
0x35: {  	_ =	swait.ge [sflag:s14], $0x4000  }
0x36: {  	s21 =	simm.s32 $0x400;
	s20 =	simm.s32 $0x200;
	[sflag:s14] =	ssyncset.done $0x0  }
.LBB2_2:
0x37: {  	s22 =	sshra.s32 s20, $0x2  }
0x38: {  	[sflag:s14] =	ssyncadd.s32 $0xFFFFC000;
	s20 =	smov.u32 s21;
	s23 =	sadd.s32 $0x200, s21  }
0x39: {  	[tilespmem:s17], [sflag:$0x1] =	stream.indirect.gather [hbm4b:s4+s16], $0x80, s22, s16, $0xb8;
	[tilespmem:$0x1B400] =	vst v63  }
0x3a: {  	p1 =	sne.s32 s21, $0x6E00;
	_ =	swait.ge [sflag:s18], $0x4000  }
.Ltmp2:
0x3b: {  	[sflag:s18] =	ssyncset.done $0x0;
	(pc) =	sbr.rel @p1 .LBB2_2-.Ltmp2, $4  }
0x3c: {  	s21 =	sadd.s32 $0x1C00, s22;
	[sflag:s18] =	ssyncadd.s32 $0xFFFFC000  }
0x3d: {  	[spmem:s1] =	stream.indirect.scatter.add.f32 [tilespmem:s17], [sflag:$0x2], $0x80, s21, s16, $0xb8;
	[tilespmem:$0x1B400] =	vst v63  }
0x3e: {  	_ =	swait.ge [sflag:s14], $0x4000  }
0x3f: {  	s21 =	smov.u32 s23;
	[sflag:s14] =	ssyncset.done $0x0  }
0x40: {  	s20 =	sshra.s32 s20, $0x2;
	[sflag:s14] =	ssyncadd.s32 $0xFFFFC000  }
0x41: {  	[tilespmem:s17], [sflag:$0x1] =	stream.indirect.gather [hbm4b:s4+s16], $0x80, s20, s16, $0xb8;
	[tilespmem:$0x1B400] =	vst v63  }
0x42: {  	_ =	swait.ge [sflag:s18], $0x4000  }
0x43: {  	[sflag:s18] =	ssyncset.done $0x0  }
0x44: {  	s20 =	sadd.s32 $0x1C00, s20;
	[sflag:s18] =	ssyncadd.s32 $0xFFFFC000  }
0x45: {  	[spmem:s1] =	stream.indirect.scatter.add.f32 [tilespmem:s17], [sflag:$0x2], $0x80, s20, s16, $0xb8;
	[tilespmem:$0x1B400] =	vst v63  }
0x46: {  	_ =	swait.ge [sflag:s14], $0x4000  }
0x47: {  	[sflag:s14] =	ssyncset.done $0x0  }
0x48: {  	s31 =	simm.s32 $0x0;
	[sflag:s14] =	ssyncadd.s32 $0xFFFFC000  }
0x49: {  	[tilespmem:s31], [sflag:$0x2] =	stream.linear.gather [hbm4b:s9+s31], $0x1800, $0x38;
	[tilespmem:$0x1B400] =	vst v63  }
0x4a: {  	_ =	swait.ge [sflag:s14], $0x1800  }
0x4b: {  	[sflag:s14] =	ssyncset.done $0x0  }
.Ltmp3:
0x4c: {  	[sflag:s14] =	ssyncadd.s32 $0xFFFFE800;
	(pc) =	sbr.rel @p0 .LBB2_7-.Ltmp3, $4  }
0x4d: {  	[tilespmem:s15], [sflag:$0x2] =	stream.linear.gather [hbm4b:s10+s31], $0x1800, $0x38;
	[tilespmem:$0x1B400] =	vst v63  }
0x4e: {  	_ =	swait.ge [sflag:s14], $0x1800  }
0x4f: {  	[sflag:s14] =	ssyncset.done $0x0  }
0x50: {  	[sflag:s14] =	ssyncadd.s32 $0xFFFFE800  }
0x51: {  	s20 =	simm.s32 $0x0  }
0x52: {  	[tilespmem:s17], [sflag:$0x1] =	stream.indirect.gather [hbm4b:s4+s16], $0x80, s20, s16, $0xb8;
	[tilespmem:$0x1B400] =	vst v63  }
0x53: {  	_ =	swait.ge [sflag:s18], $0x4000  }
0x54: {  	[sflag:s18] =	ssyncset.done $0x0  }
0x55: {  	s31 =	simm.s32 $0x1C00;
	[sflag:s18] =	ssyncadd.s32 $0xFFFFC000  }
0x56: {  	[spmem:s1] =	stream.indirect.scatter.add.f32 [tilespmem:s17], [sflag:$0x2], $0x80, s31, s16, $0xb8;
	[tilespmem:$0x1B400] =	vst v63  }
0x57: {  	_ =	swait.ge [sflag:s14], $0x4000  }
0x58: {  	s21 =	simm.s32 $0x400;
	s20 =	simm.s32 $0x200;
	[sflag:s14] =	ssyncset.done $0x0  }
.LBB2_5:
0x59: {  	s22 =	sshra.s32 s20, $0x2  }
0x5a: {  	[sflag:s14] =	ssyncadd.s32 $0xFFFFC000;
	s20 =	smov.u32 s21;
	s23 =	sadd.s32 $0x200, s21  }
0x5b: {  	[tilespmem:s17], [sflag:$0x1] =	stream.indirect.gather [hbm4b:s4+s16], $0x80, s22, s16, $0xb8;
	[tilespmem:$0x1B400] =	vst v63  }
0x5c: {  	p1 =	sne.s32 s21, $0x5E00;
	_ =	swait.ge [sflag:s18], $0x4000  }
.Ltmp4:
0x5d: {  	[sflag:s18] =	ssyncset.done $0x0;
	(pc) =	sbr.rel @p1 .LBB2_5-.Ltmp4, $4  }
0x5e: {  	s21 =	sadd.s32 $0x1C00, s22;
	[sflag:s18] =	ssyncadd.s32 $0xFFFFC000  }
0x5f: {  	[spmem:s1] =	stream.indirect.scatter.add.f32 [tilespmem:s17], [sflag:$0x2], $0x80, s21, s16, $0xb8;
	[tilespmem:$0x1B400] =	vst v63  }
0x60: {  	_ =	swait.ge [sflag:s14], $0x4000  }
0x61: {  	s21 =	smov.u32 s23;
	[sflag:s14] =	ssyncset.done $0x0  }
.Ltmp5:
0x62: {  	_ = 	snop;
	(pc) =	sbr.rel .LBB2_6-.Ltmp5, $1  }
0x63: {  	_ =	sdelay $0x3  }
.LBB2_8:
0x64: {  	_ =	sfence.sel $0x180000  }
0x65: {  	[bflag:$0x0] =	sbarrier.arrive $0xFFFF  }
0x66: {  	p0 =	sne.s32 s2, $0x0;
	_ =	strace $0x9000004D  }
0x67: {  	s0 =	sadd.s32 @!p0 $0x100000, s0;
	[bflag:$0x2] =	sbarrier.arrive $0xFFFF  }
0x68: {  	[sflag:s0] =	ssyncadd.tile.s32 @!p0 $0x1;
	_ =	shalt  }
.Lfunc_end2:
_tile_overlayer_lowered:
.L_overlay_start_2:
0x69: {  	(tag) =	ssettag $0x2  }
0x6a: {  	s0 =	rddreg [dreg:$0x0];
	s2 =	stileid.u32  }
0x6b: {  	s1 =	rddreg [dreg:$0x1];
	p0 =	sne.s32 s2, $0x0  }
0x6c: {  	s3 =	rddreg [dreg:$0x2];
	[bflag:$0x3] =	sbarrier.arrive $0xFFFF;
	s2 =	simm.s32 @!p0 $0x1C02  }
0x6d: {  	[timem:s3], [sflag:s2] =	dma.local @!p0 [hbm:s0], s1  }
0x6e: {  	s0 =	simm.s32 @!p0 $0x2  }
0x6f: {  	_ =	swait.ge @!p0 [sflag:s0], s1  }
0x70: {  	s1 =	ssub.s32 @!p0 $0x0, s1;
	[sflag:s0] =	ssyncset.done @!p0 $0x0  }
0x71: {  	[sflag:s0] =	ssyncadd.s32 @!p0 s1  }
0x72: {  	[bflag:$0x3] =	sbarrier.arrive $0xFFFF  }
0x73: {  	_ =	shalt  }

// kernel: kernel.19.cloned.1.call-start
scs
__scs_entry_jumppad:
0x0: {  	(pc) =	sbr.rel $0x88, $3  }
0x1: {  	(tag) =	ssettag $0x0;
	lr =	simm.s32 $0x1  }
0x2: {  	[smem:$0x3F94] =	sst lr;
	_ =	strace $0xD0000000  }
0x3: {  	_ = 	snop  }
0x4: {  	_ = 	snop  }
0x5: {  	_ = 	snop  }
0x6: {  	_ = 	snop  }
0x7: {  	_ = 	snop  }
__scs_overlays_trampoline_lowered:
0x8: {  	[smem:$0x3FA3] =	sst s0  }
0x9: {  	[smem:$0x3FA4] =	sst s1  }
0xa: {  	[smem:$0x3FA5] =	sst s2  }
0xb: {  	[smem:$0x3FA6] =	sst s3  }
0xc: {  	[smem:$0x3FA7] =	sst s4  }
0xd: {  	[smem:$0x3FA8] =	sst s5  }
0xe: {  	[smem:$0x3FA9] =	sst s6  }
0xf: {  	[smem:$0x3FAA] =	sst s7  }
0x10: {  	[smem:$0x3FAB] =	sst s8  }
0x11: {  	[smem:$0x3FAC] =	sst s9;
	s0 =	simm.s32 @!p0 $0x0  }
0x12: {  	s1 =	sld [smem:$0x3F92];
	s0 =	simm.s32 @p0 $0x1  }
0x13: {  	[smem:$0x3FAD] =	sst s0;
	s0 =	simm.s32 @!p1 $0x0  }
0x14: {  	s2 =	sld [smem:$0x3F91];
	s0 =	simm.s32 @p1 $0x1  }
0x15: {  	[smem:$0x3FAE] =	sst s0;
	s0 =	simm.s32 @!p2 $0x0  }
0x16: {  	s3 =	sld [smem:$0x3FDB];
	s0 =	simm.s32 @p2 $0x1  }
0x17: {  	s4 =	simm.s32 $0x1BF5;
	[smem:$0x3FB0] =	sst s0  }
0x18: {  	s0 =	sld [smem:$0x3F93];
	_ =	swait.ge [sflag:s4], $0x0  }
0x19: {  	s7 =	sld [smem:$0x3F94]  }
0x1a: {  	s8 =	sadd.s32 $0xFFFFE003, lr  }
0x1b: {  	s9 =	sadd.s32 $0xFFFFFEF7, lr;
	s5 =	simm.s32 $0xFFFFFFFF;
	p2 =	slt.u32 s8, $0xFFFFF086  }
0x1c: {  	p1 =	slt.u32 s9, $0xF7A;
	s5 =	simm.s32 @!p2 $0x0  }
0x1d: {  	s5 =	simm.s32 @p1 $0x1;
	p0 =	seq.s32 s7, s2  }
0x1e: {  	s7 =	smul.u32 @!p0 $0xF7A, s2;
	p2 =	seq.s32 @!p0 s5, $0x0  }
0x1f: {  	s9 =	smul.u32 $0xF7A, s1;
	s8 =	simm.s32 @!p0 $0x1BF5;
	p2 =	por !p2, p0  }
0x20: {  	[sflag:s8] =	ssyncset.s32 @!p0 $0xFFFFF086;
	s6 =	sadd.s32 @!p0 s3, s7;
	s7 =	simm.s32 @!p0 $0x108  }
0x21: {  	s3 =	sadd.s32 s3, s9;
	s6 =	sadd.s32 @!p0 $0x88, s6;
	s7 =	simm.s32 @p2 $0x1082  }
0x22: {  	[simem:s7], [sflag:s8] =	dma.local @!p0 [hbm:s6], $0xF7A  }
0x23: {  	s9 =	sor.u32 $0xD0000000, s2;
	s6 =	simm.s32 $0x108;
	_ =	swait.ge @!p0 [sflag:s8], $0x0  }
0x24: {  	s3 =	sadd.s32 $0x88, s3;
	s6 =	simm.s32 @!p1 $0x1082;
	[sflag:s4] =	ssyncset.s32 $0xFFFFF086  }
0x25: {  	[simem:s6], [sflag:s4] =	dma.local [hbm:s3], $0xF7A  }
0x26: {  	[smem:$0x3F94] =	sst s1;
	(tag) =	ssettag s2;
	_ =	strace s9  }
0x27: {  	s1 =	sld [smem:$0x3FA4]  }
0x28: {  	s2 =	sld [smem:$0x3FA5]  }
0x29: {  	s4 =	sld [smem:$0x3FA7]  }
0x2a: {  	p0 =	seq.s32 s5, $0x0;
	s5 =	sld [smem:$0x3FA8]  }
0x2b: {  	s6 =	sld [smem:$0x3FA9]  }
0x2c: {  	s7 =	sld [smem:$0x3FAA]  }
0x2d: {  	s3 =	simm.s32 $0x108;
	s8 =	sld [smem:$0x3FAB]  }
0x2e: {  	s3 =	simm.s32 @!p0 $0x1082;
	s9 =	sld [smem:$0x3FAC]  }
0x2f: {  	lr =	sadd.s32 s0, s3;
	s0 =	sld [smem:$0x3FA3]  }
0x30: {  	s3 =	sld [smem:$0x3FA6]  }
0x31: {  	[smem:$0x3FAF] =	sst s10  }
0x32: {  	s10 =	sld [smem:$0x3FAD];
	_ =	sdelay $0x3  }
0x33: {  	p0 =	seq.s32 s10, $0x1;
	s10 =	sld [smem:$0x3FAF];
	_ =	sdelay $0x3  }
0x34: {  	[smem:$0x3FAF] =	sst s10  }
0x35: {  	s10 =	sld [smem:$0x3FAE];
	_ =	sdelay $0x3  }
0x36: {  	p1 =	seq.s32 s10, $0x1;
	s10 =	sld [smem:$0x3FAF];
	_ =	sdelay $0x3  }
0x37: {  	[smem:$0x3FAF] =	sst s10  }
0x38: {  	s10 =	sld [smem:$0x3FB0]  }
0x39: {  	_ = 	snop;
	(pc) =	sbr.ind lr, $3  }
0x3a: {  	_ = 	snop  }
0x3b: {  	_ = 	snop  }
0x3c: {  	p2 =	seq.s32 s10, $0x1;
	s10 =	sld [smem:$0x3FAF]  }
0x3d: {  	_ =	shalt  }
0x3e: {  	_ =	shalt  }
0x3f: {  	_ =	shalt  }
0x40: {  	_ =	shalt  }
0x41: {  	_ =	shalt  }
0x42: {  	_ =	shalt  }
0x43: {  	_ =	shalt  }
0x44: {  	_ =	shalt  }
0x45: {  	_ =	shalt  }
0x46: {  	_ =	shalt  }
0x47: {  	_ =	shalt  }
0x48: {  	_ =	shalt  }
0x49: {  	_ =	shalt  }
0x4a: {  	_ =	shalt  }
0x4b: {  	_ =	shalt  }
0x4c: {  	_ =	shalt  }
0x4d: {  	_ =	shalt  }
0x4e: {  	_ =	shalt  }
0x4f: {  	_ =	shalt  }
0x50: {  	_ =	shalt  }
0x51: {  	_ =	shalt  }
0x52: {  	_ =	shalt  }
0x53: {  	_ =	shalt  }
0x54: {  	_ =	shalt  }
0x55: {  	_ =	shalt  }
0x56: {  	_ =	shalt  }
0x57: {  	_ =	shalt  }
0x58: {  	_ =	shalt  }
0x59: {  	_ =	shalt  }
0x5a: {  	_ =	shalt  }
0x5b: {  	_ =	shalt  }
0x5c: {  	_ =	shalt  }
0x5d: {  	_ =	shalt  }
0x5e: {  	_ =	shalt  }
0x5f: {  	_ =	shalt  }
0x60: {  	_ =	shalt  }
0x61: {  	_ =	shalt  }
0x62: {  	_ =	shalt  }
0x63: {  	_ =	shalt  }
0x64: {  	_ =	shalt  }
0x65: {  	_ =	shalt  }
0x66: {  	_ =	shalt  }
0x67: {  	_ =	shalt  }
0x68: {  	_ =	shalt  }
0x69: {  	_ =	shalt  }
0x6a: {  	_ =	shalt  }
0x6b: {  	_ =	shalt  }
0x6c: {  	_ =	shalt  }
0x6d: {  	_ =	shalt  }
0x6e: {  	_ =	shalt  }
0x6f: {  	_ =	shalt  }
0x70: {  	_ =	shalt  }
0x71: {  	_ =	shalt  }
0x72: {  	_ =	shalt  }
0x73: {  	_ =	shalt  }
0x74: {  	_ =	shalt  }
0x75: {  	_ =	shalt  }
0x76: {  	_ =	shalt  }
0x77: {  	_ =	shalt  }
0x78: {  	_ =	shalt  }
0x79: {  	_ =	shalt  }
0x7a: {  	_ =	shalt  }
0x7b: {  	_ =	shalt  }
0x7c: {  	_ =	shalt  }
0x7d: {  	_ =	shalt  }
0x7e: {  	_ =	shalt  }
0x7f: {  	_ =	shalt  }
0x80: {  	_ =	shalt  }
0x81: {  	_ =	shalt  }
0x82: {  	_ =	shalt  }
0x83: {  	_ =	shalt  }
0x84: {  	_ =	shalt  }
0x85: {  	_ =	shalt  }
0x86: {  	_ =	shalt  }
0x87: {  	_ =	shalt  }
.Lfunc_end0:
.L_simem_size_0:
called_computation.3_lowered:
.L_overlay_start_0:
0x88: {  	s2 =	sld [smem:$0x3FD9]  }
0x89: {  	s3 =	sld [smem:$0x3FFE];
	_ =	sdelay $0x1  }
0x8a: {  	s1 =	srdreg.scid  }
0x8b: {  	s0 =	sand.u32 $0x1, s1  }
0x8c: {  	s16 =	sshll.u32 s0, $0xA;
	s2 =	sadd.s32 s3, s2  }
0x8d: {  	s2 =	sadd.s32 s2, s16  }
0x8e: {  	[smem:$0x3FBB] =	sst s2  }
0x8f: {  	_ = 	snop  }
0x90: {  	(tm) =	ssettm $0x1  }
0x91: {  	s17 =	sld [smem:$0x3FFB];
	_ =	sdelay $0x3  }
0x92: {  	_ =	strace s17  }
0x93: {  	s2 =	sld [smem:$0x3FFC];
	_ =	sdelay $0x3  }
0x94: {  	_ =	strace s2  }
0x95: {  	s2 =	sld [smem:$0x3FFD];
	_ =	sdelay $0x3  }
0x96: {  	_ =	strace s2  }
0x97: {  	_ =	strace $0x8FFFFFFF  }
0x98: {  	s18 =	sld [smem:$0x3FDB];
	_ =	sdelay $0x1  }
0x99: {  	s19 =	simm.s32 $_scs_section_size  }
0x9a: {  	s4 =	simm.s32 $_size__tile_overlayer_lowered;
	s5 =	simm.s32 $_tile_overlayer_lowered  }
0x9b: {  	s22 =	simm.s32 $0x1BFF;
	s21 =	sshll.u32 s5, $0x1;
	s2 =	sadd.s32 s19, s18  }
0x9c: {  	s6 =	simm.s32 $0x0;
	s20 =	sshll.u32 s4, $0x1;
	s4 =	sadd.s32 s21, s2  }
0x9d: {  	[timem:s6], [sflag:s22] =	dma.local [hbm:s4], s20  }
0x9e: {  	_ =	swait.ge [sflag:s22], s20  }
0x9f: {  	s3 =	ssub.s32 $0x0, s20;
	[sflag:s22] =	ssyncset.done $0x0  }
0xa0: {  	[sflag:s22] =	ssyncadd.s32 s3;
	_ =	sdelay $0x1  }
0xa1: {  	s23 =	simm.s32 $0x1B8B  }
0xa2: {  	_ =	swait.ge [sflag:s23], $0x1  }
0xa3: {  	[sflag:s23] =	ssyncset.done $0x0  }
0xa4: {  	s25 =	simm.s32 $0x1B8E;
	s24 =	sld [smem:$0x3FFE];
	[sflag:s23] =	ssyncadd.s32 $0xFFFFFFFF  }
0xa5: {  	s26 =	simm.s32 $execute0_lowered;
	[smem:$0x3FD2] =	sst s25  }
0xa6: {  	s4 =	sshll.u32 s26, $0x1;
	_ =	strace $0x8000004F;
	[dreg:$0x1] =	wrdreg $0xFFFFFFFF  }
0xa7: {  	s28 =	simm.s32 $_size_execute0_lowered;
	s2 =	sadd.s32 s2, s4;
	[dreg:$0x0] =	wrdreg $0x0  }
0xa8: {  	s4 =	sshll.u32 s28, $0x1;
	[dreg:$0x2] =	wrdreg s2  }
0xa9: {  	[dreg:$0x3] =	wrdreg s4  }
0xaa: {  	[dreg:$0x4] =	wrdreg $0xC0  }
0xab: {  	_ =	task [dreg:s6], $0x5FFFF  }
0xac: {  	[dreg:$0x1] =	wrdreg $0xFFFFFFFF  }
0xad: {  	[dreg:$0x0] =	wrdreg $0x60  }
0xae: {  	[dreg:$0x2] =	wrdreg s24  }
0xaf: {  	[dreg:$0x3] =	wrdreg $0x78000  }
0xb0: {  	[dreg:$0x4] =	wrdreg $0x9  }
0xb1: {  	_ =	task.clear_ibuf [dreg:s6], $0x5FFFF;
	_ =	strace $0x9000004F  }
0xb2: {  	s29 =	simm.s32 $0x9;
	_ =	strace $0x80000051  }
0xb3: {  	_ =	swait.ge [sflag:s29], $0x1  }
0xb4: {  	[sflag:s29] =	ssyncadd.s32 $0xFFFFFFFF  }
0xb5: {  	_ =	strace $0x90000051  }
0xb6: {  	_ =	sfence  }
0xb7: {  	s30 =	sld [smem:$0x0];
	_ =	sdelay $0x2  }
0xb8: {  	s31 =	sshll.u32 s1, $0xD;
	s1 =	sshrl.u32 s1, $0x2  }
0xb9: {  	s3 =	sand.u32 $0x4000, s31;
	s1 =	sadd.s32 s1, s30  }
0xba: {  	s0 =	sor.u32 s3, s0;
	s1 =	sshll.u32 s1, $0x11  }
0xbb: {  	s0 =	sor.u32 s1, s0  }
0xbc: {  	s0 =	sadd.s32 $0x8F2B, s0  }
0xbd: {  	[sflag:s0] =	ssyncadd.remote.s32 $0x1  }
0xbe: {  	_ =	sfence.sel $0xFFFF  }
0xbf: {  	[dreg:$0x0] =	wrdreg $0xFFFFFFFF;
	(pc) =	sbr.abs _section_cstart, $3  }
0xc0: {  	[dreg:$0x1] =	wrdreg $0xFFFFFFFF  }
0xc1: {  	_ =	task.clear_ibuf [dreg:s6], $0x2FFFF;
	_ =	strace $0x9FFFFFFF  }
0xc2: {  	(tm) =	ssettm $0x7FFFFFFF  }
0xc3: {  	_ =	shalt  }
tec
execute0_lowered:
.L_overlay_start_1:
0x0: {  	(tag) =	ssettag $0x1  }
0x1: {  	s6 =	rddreg [dreg:$0x0]  }
0x2: {  	s1 =	rddreg [dreg:$0x1]  }
0x3: {  	s0 =	rddreg [dreg:$0x2]  }
0x4: {  	s3 =	simm.s32 $0x0;
	s2 =	srdreg.scid;
	s16 =	simm.s32 $0x80  }
0x5: {  	s17 =	simm.s32 $0x3800;
	[smem:$0x7FF] =	sst s3;
	s19 =	sand.u32 $0x1, s2  }
0x6: {  	s18 =	simm.s32 $0x1;
	s2 =	stileid.u32;
	s7 =	smul.u32 $0x13C000, s19  }
0x7: {  	s4 =	sadd.s32 $0x6A200, s6;
	s9 =	sadd.s32 $0x4200, s6;
	s8 =	smul.u32 $0x13C00, s2  }
0x8: {  	s10 =	sadd.s32 $0xE200, s6;
	s5 =	sadd.s32 $0x18200, s6;
	s25 =	smul.u32 $0x68, s2  }
0x9: {  	_ =	strace $0x80000050;
	s11 =	ssub.s32 $0x2, s19;
	s12 =	smul.u32 $0x38, s2  }
0xa: {  	s28 =	smul.u32 $0x4F000, s2;
	p0 =	seq.s32 s19, $0x0;
	s7 =	sadd.s32 s8, s7  }
0xb: {  	s30 =	sshll.u32 s2, $0x6;
	s26 =	sshrl.u32 s11, $0x1;
	s7 =	sshrl.u32 s7, $0x3  }
0xc: {  	s29 =	sshrl.u32 s28, $0x2;
	s13 =	sadd.s32 s7, s6;
	s6 =	sadd.s32 $0x380, s25  }
0xd: {  	s14 =	ssub.s32 s11, s26;
	s15 =	sadd.s32 s29, s1;
	s12 =	smov.u32 @p0 s6  }
.Ltmp0:
0xe: {  	s6 =	sor.u32 $0x1C02, s30;
	p0 =	sne.s32 s19, $0x0;
	(pc) =	sbr.rel .LBB2_1-.Ltmp0, $4  }
0xf: {  	s19 =	simm.s32 $0x0;
	s31 =	sshll.u32 s12, $0x4;
	s12 =	smax.u32 s14, $0x1  }
0x10: {  	s14 =	simm.s32 $0x2;
	s7 =	sadd.s32 s9, s31;
	s11 =	sadd.s32 $0x380, s31  }
0x11: {  	s8 =	sadd.s32 s10, s31;
	s9 =	sadd.s32 s9, s11;
	s10 =	sadd.s32 s10, s11  }
0x12: {  	s11 =	sadd.s32 $0x91400, s13;
	s13 =	sshrl.u32 s15, $0x3;
	s15 =	simm.s32 $0x1C00  }
.LBB2_6:
0x13: {  	s20 =	sshra.s32 s20, $0x2;
	[sflag:s14] =	ssyncadd.s32 $0xFFFFC000  }
0x14: {  	[tilespmem:s17], [sflag:$0x1] =	stream.indirect.gather [hbm4b:s4+s16], $0x80, s20, s16, $0xb8;
	[tilespmem:$0x1B400] =	vst v63  }
0x15: {  	_ =	swait.ge [sflag:s18], $0x4000  }
0x16: {  	[sflag:s18] =	ssyncset.done $0x0  }
0x17: {  	s20 =	sadd.s32 $0x1C00, s20;
	[sflag:s18] =	ssyncadd.s32 $0xFFFFC000  }
0x18: {  	[spmem:s1] =	stream.indirect.scatter.add.f32 [tilespmem:s17], [sflag:$0x2], $0x80, s20, s16, $0xb8;
	[tilespmem:$0x1B400] =	vst v63  }
0x19: {  	_ =	swait.ge [sflag:s14], $0x4000  }
0x1a: {  	[sflag:s14] =	ssyncset.done $0x0  }
0x1b: {  	[sflag:s14] =	ssyncadd.s32 $0xFFFFC000  }
.LBB2_7:
0x1c: {  	s19 =	sadd.s32 $0x1, s19  }
0x1d: {  	p1 =	sne.s32 s19, s12  }
.Ltmp1:
0x1e: {  	[bflag:$0x0] =	sbarrier.arrive $0xFFFF;
	(pc) =	sbr.rel @!p1 .LBB2_8-.Ltmp1, $4  }
0x1f: {  	[hbm:s11], [sflag:s6] =	dma.local [spmem:s13], $0x2780  }
0x20: {  	_ =	swait.ge [sflag:s14], $0x2780  }
0x21: {  	[sflag:s14] =	ssyncset.done $0x0  }
0x22: {  	[sflag:s14] =	ssyncadd.s32 $0xFFFFD880  }
.LBB2_1:
0x23: {  	[spmem:s13], [sflag:s6] =	dma.local [hbm:s5], $0x2780  }
0x24: {  	_ =	swait.ge [sflag:s14], $0x2780  }
0x25: {  	[sflag:s14] =	ssyncset.done $0x0  }
0x26: {  	[sflag:s14] =	ssyncadd.s32 $0xFFFFD880  }
0x27: {  	[bflag:$0x0] =	sbarrier.arrive $0xFFFF  }
0x28: {  	[tilespmem:s3], [sflag:$0x2] =	stream.linear.gather [hbm4b:s7+s3], $0x1C00, $0x38;
	[tilespmem:$0x1B400] =	vst v63  }
0x29: {  	_ =	swait.ge [sflag:s14], $0x1C00  }
0x2a: {  	[sflag:s14] =	ssyncset.done $0x0  }
0x2b: {  	[sflag:s14] =	ssyncadd.s32 $0xFFFFE400  }
0x2c: {  	[tilespmem:s15], [sflag:$0x2] =	stream.linear.gather [hbm4b:s8+s3], $0x1C00, $0x38;
	[tilespmem:$0x1B400] =	vst v63  }
0x2d: {  	_ =	swait.ge [sflag:s14], $0x1C00  }
0x2e: {  	[sflag:s14] =	ssyncset.done $0x0  }
0x2f: {  	s20 =	simm.s32 $0x0;
	[sflag:s14] =	ssyncadd.s32 $0xFFFFE400  }
0x30: {  	[tilespmem:s17], [sflag:$0x1] =	stream.indirect.gather [hbm4b:s4+s16], $0x80, s20, s16, $0xb8;
	[tilespmem:$0x1B400] =	vst v63  }
0x31: {  	_ =	swait.ge [sflag:s18], $0x4000  }
0x32: {  	[sflag:s18] =	ssyncset.done $0x0  }
0x33: {  	s31 =	simm.s32 $0x1C00;
	[sflag:s18] =	ssyncadd.s32 $0xFFFFC000  }
0x34: {  	[spmem:s1] =	stream.indirect.scatter.add.f32 [tilespmem:s17], [sflag:$0x2], $0x80, s31, s16, $0xb8;
	[tilespmem:$0x1B400] =	vst v63  }
0x35: {  	_ =	swait.ge [sflag:s14], $0x4000  }
0x36: {  	s21 =	simm.s32 $0x400;
	s20 =	simm.s32 $0x200;
	[sflag:s14] =	ssyncset.done $0x0  }
.LBB2_2:
0x37: {  	s22 =	sshra.s32 s20, $0x2  }
0x38: {  	[sflag:s14] =	ssyncadd.s32 $0xFFFFC000;
	s20 =	smov.u32 s21;
	s23 =	sadd.s32 $0x200, s21  }
0x39: {  	[tilespmem:s17], [sflag:$0x1] =	stream.indirect.gather [hbm4b:s4+s16], $0x80, s22, s16, $0xb8;
	[tilespmem:$0x1B400] =	vst v63  }
0x3a: {  	p1 =	sne.s32 s21, $0x6E00;
	_ =	swait.ge [sflag:s18], $0x4000  }
.Ltmp2:
0x3b: {  	[sflag:s18] =	ssyncset.done $0x0;
	(pc) =	sbr.rel @p1 .LBB2_2-.Ltmp2, $4  }
0x3c: {  	s21 =	sadd.s32 $0x1C00, s22;
	[sflag:s18] =	ssyncadd.s32 $0xFFFFC000  }
0x3d: {  	[spmem:s1] =	stream.indirect.scatter.add.f32 [tilespmem:s17], [sflag:$0x2], $0x80, s21, s16, $0xb8;
	[tilespmem:$0x1B400] =	vst v63  }
0x3e: {  	_ =	swait.ge [sflag:s14], $0x4000  }
0x3f: {  	s21 =	smov.u32 s23;
	[sflag:s14] =	ssyncset.done $0x0  }
0x40: {  	s20 =	sshra.s32 s20, $0x2;
	[sflag:s14] =	ssyncadd.s32 $0xFFFFC000  }
0x41: {  	[tilespmem:s17], [sflag:$0x1] =	stream.indirect.gather [hbm4b:s4+s16], $0x80, s20, s16, $0xb8;
	[tilespmem:$0x1B400] =	vst v63  }
0x42: {  	_ =	swait.ge [sflag:s18], $0x4000  }
0x43: {  	[sflag:s18] =	ssyncset.done $0x0  }
0x44: {  	s20 =	sadd.s32 $0x1C00, s20;
	[sflag:s18] =	ssyncadd.s32 $0xFFFFC000  }
0x45: {  	[spmem:s1] =	stream.indirect.scatter.add.f32 [tilespmem:s17], [sflag:$0x2], $0x80, s20, s16, $0xb8;
	[tilespmem:$0x1B400] =	vst v63  }
0x46: {  	_ =	swait.ge [sflag:s14], $0x4000  }
0x47: {  	[sflag:s14] =	ssyncset.done $0x0  }
0x48: {  	s31 =	simm.s32 $0x0;
	[sflag:s14] =	ssyncadd.s32 $0xFFFFC000  }
0x49: {  	[tilespmem:s31], [sflag:$0x2] =	stream.linear.gather [hbm4b:s9+s31], $0x1800, $0x38;
	[tilespmem:$0x1B400] =	vst v63  }
0x4a: {  	_ =	swait.ge [sflag:s14], $0x1800  }
0x4b: {  	[sflag:s14] =	ssyncset.done $0x0  }
.Ltmp3:
0x4c: {  	[sflag:s14] =	ssyncadd.s32 $0xFFFFE800;
	(pc) =	sbr.rel @p0 .LBB2_7-.Ltmp3, $4  }
0x4d: {  	[tilespmem:s15], [sflag:$0x2] =	stream.linear.gather [hbm4b:s10+s31], $0x1800, $0x38;
	[tilespmem:$0x1B400] =	vst v63  }
0x4e: {  	_ =	swait.ge [sflag:s14], $0x1800  }
0x4f: {  	[sflag:s14] =	ssyncset.done $0x0  }
0x50: {  	[sflag:s14] =	ssyncadd.s32 $0xFFFFE800  }
0x51: {  	s20 =	simm.s32 $0x0  }
0x52: {  	[tilespmem:s17], [sflag:$0x1] =	stream.indirect.gather [hbm4b:s4+s16], $0x80, s20, s16, $0xb8;
	[tilespmem:$0x1B400] =	vst v63  }
0x53: {  	_ =	swait.ge [sflag:s18], $0x4000  }
0x54: {  	[sflag:s18] =	ssyncset.done $0x0  }
0x55: {  	s31 =	simm.s32 $0x1C00;
	[sflag:s18] =	ssyncadd.s32 $0xFFFFC000  }
0x56: {  	[spmem:s1] =	stream.indirect.scatter.add.f32 [tilespmem:s17], [sflag:$0x2], $0x80, s31, s16, $0xb8;
	[tilespmem:$0x1B400] =	vst v63  }
0x57: {  	_ =	swait.ge [sflag:s14], $0x4000  }
0x58: {  	s21 =	simm.s32 $0x400;
	s20 =	simm.s32 $0x200;
	[sflag:s14] =	ssyncset.done $0x0  }
.LBB2_5:
0x59: {  	s22 =	sshra.s32 s20, $0x2  }
0x5a: {  	[sflag:s14] =	ssyncadd.s32 $0xFFFFC000;
	s20 =	smov.u32 s21;
	s23 =	sadd.s32 $0x200, s21  }
0x5b: {  	[tilespmem:s17], [sflag:$0x1] =	stream.indirect.gather [hbm4b:s4+s16], $0x80, s22, s16, $0xb8;
	[tilespmem:$0x1B400] =	vst v63  }
0x5c: {  	p1 =	sne.s32 s21, $0x5E00;
	_ =	swait.ge [sflag:s18], $0x4000  }
.Ltmp4:
0x5d: {  	[sflag:s18] =	ssyncset.done $0x0;
	(pc) =	sbr.rel @p1 .LBB2_5-.Ltmp4, $4  }
0x5e: {  	s21 =	sadd.s32 $0x1C00, s22;
	[sflag:s18] =	ssyncadd.s32 $0xFFFFC000  }
0x5f: {  	[spmem:s1] =	stream.indirect.scatter.add.f32 [tilespmem:s17], [sflag:$0x2], $0x80, s21, s16, $0xb8;
	[tilespmem:$0x1B400] =	vst v63  }
0x60: {  	_ =	swait.ge [sflag:s14], $0x4000  }
0x61: {  	s21 =	smov.u32 s23;
	[sflag:s14] =	ssyncset.done $0x0  }
.Ltmp5:
0x62: {  	_ = 	snop;
	(pc) =	sbr.rel .LBB2_6-.Ltmp5, $1  }
0x63: {  	_ =	sdelay $0x3  }
.LBB2_8:
0x64: {  	_ =	sfence.sel $0x180000  }
0x65: {  	[bflag:$0x0] =	sbarrier.arrive $0xFFFF  }
0x66: {  	p0 =	sne.s32 s2, $0x0;
	_ =	strace $0x90000050  }
0x67: {  	s0 =	sadd.s32 @!p0 $0x100000, s0;
	[bflag:$0x2] =	sbarrier.arrive $0xFFFF  }
0x68: {  	[sflag:s0] =	ssyncadd.tile.s32 @!p0 $0x1;
	_ =	shalt  }
.Lfunc_end2:
_tile_overlayer_lowered:
.L_overlay_start_2:
0x69: {  	(tag) =	ssettag $0x2  }
0x6a: {  	s0 =	rddreg [dreg:$0x0];
	s2 =	stileid.u32  }
0x6b: {  	s1 =	rddreg [dreg:$0x1];
	p0 =	sne.s32 s2, $0x0  }
0x6c: {  	s3 =	rddreg [dreg:$0x2];
	[bflag:$0x3] =	sbarrier.arrive $0xFFFF;
	s2 =	simm.s32 @!p0 $0x1C02  }
0x6d: {  	[timem:s3], [sflag:s2] =	dma.local @!p0 [hbm:s0], s1  }
0x6e: {  	s0 =	simm.s32 @!p0 $0x2  }
0x6f: {  	_ =	swait.ge @!p0 [sflag:s0], s1  }
0x70: {  	s1 =	ssub.s32 @!p0 $0x0, s1;
	[sflag:s0] =	ssyncset.done @!p0 $0x0  }
0x71: {  	[sflag:s0] =	ssyncadd.s32 @!p0 s1  }
0x72: {  	[bflag:$0x3] =	sbarrier.arrive $0xFFFF  }
0x73: {  	_ =	shalt  }

</sc_bundles>
